<compile_context>
chip_gen: v7x
topology: tpu7x:2x2x1
jax: 0.10.2.dev20260603
libtpu: 0.0.44.dev20260713+nightly
codegen_flags: <defaults>
</compile_context>

<pallas_src>
import functools

import jax
import jax.numpy as jnp
from jax import lax
from jax.experimental import pallas as pl
from jax.experimental.pallas import tpu as pltpu
from jax.experimental.pallas import tpu_sc as plsc

_N = 10000
_E = 320000
_D = 128
_EPS = 1e-5

_NC = 2
_NS = 16
_NW = _NC * _NS
_EPT = _E // _NW
_CH = 80
_NCHUNK = _EPT // _CH
_GR = _CH // 16

_NPH = 3
_PH = 4096
_ND = 128
_ACC = _PH + _ND
_RZ = _ACC // _NS
_RW = _PH // _NS
_NP2 = _NPH * _PH

_mesh = plsc.VectorSubcoreMesh(core_axis_name="c", subcore_axis_name="s")


@functools.partial(
    pl.kernel,
    out_type=jax.ShapeDtypeStruct((_NC, _NP2, _D), jnp.float32),
    mesh=_mesh,
    scratch_types=[
        pltpu.VMEM((_NCHUNK, _CH), jnp.int32),
        pltpu.VMEM((_NCHUNK, _CH), jnp.int32),
        pltpu.VMEM((_NCHUNK, _CH), jnp.int32),
        pltpu.VMEM((_CH, _D), jnp.float32),
        pltpu.VMEM((_RZ, _D), jnp.float32),
        pltpu.VMEM_SHARED((_ACC, _D), jnp.float32),
        pltpu.SemaphoreType.DMA,
        pltpu.SemaphoreType.DMA,
    ],
)
def _scatter_kernel(hp_hbm, src_hbm, dst_hbm, out_hbm,
                    src_v, dst_v, dstp_v, rows_v,
                    zbuf_v, acc_sh, gsem, ssem):
    c = lax.axis_index("c")
    s = lax.axis_index("s")
    wid = c * _NS + s

    pltpu.sync_copy(src_hbm.at[wid], src_v)
    pltpu.sync_copy(dst_hbm.at[wid], dst_v)

    def _zbufz(r, _):
        for k in range(_D // 16):
            zbuf_v[r, pl.ds(k * 16, 16)] = jnp.zeros((16,), jnp.float32)
        return 0

    for phase in range(_NPH):
        lo = phase * _PH
        lax.fori_loop(0, _RZ, _zbufz, 0)
        pltpu.sync_copy(zbuf_v, acc_sh.at[pl.ds(s * _RZ, _RZ)])

        lo_i = jnp.int32(lo)
        hi_i = jnp.int32(lo + _PH)
        ph_i = jnp.int32(_PH)
        m_i = jnp.int32(_ND - 1)

        def _clamp(r, _):
            for k in range(_GR):
                d16 = dst_v[r, pl.ds(k * 16, 16)]
                ok = (d16 >= lo_i) & (d16 < hi_i)
                dstp_v[r, pl.ds(k * 16, 16)] = jnp.where(
                    ok, d16 - lo_i, ph_i + (d16 & m_i))
            return 0

        lax.fori_loop(0, _NCHUNK, _clamp, 0)
        plsc.subcore_barrier()

        def _edge_chunk(j, _):
            pltpu.async_copy(hp_hbm.at[src_v.at[j]], rows_v, gsem).wait()
            pltpu.async_copy(rows_v, acc_sh.at[dstp_v.at[j]], ssem,
                             add=True).wait()
            return 0

        lax.fori_loop(0, _NCHUNK, _edge_chunk, 0)
        plsc.subcore_barrier()

        pltpu.sync_copy(acc_sh.at[pl.ds(s * _RW, _RW)], zbuf_v.at[pl.ds(0, _RW)])
        pltpu.sync_copy(zbuf_v.at[pl.ds(0, _RW)],
                        out_hbm.at[c, pl.ds(lo + s * _RW, _RW)])
        plsc.subcore_barrier()


def _prep_body(degp_ref, x_ref, w1_ref, dinv_ref, hp_ref):
    deg = degp_ref[0, 0:_N, 0:1] + degp_ref[1, 0:_N, 0:1] + 1.0
    dinv = lax.rsqrt(deg)
    dinv_ref[...] = dinv
    h1 = jnp.dot(x_ref[...], w1_ref[...], preferred_element_type=jnp.float32)
    hp_ref[...] = dinv * h1


_prep_call = pl.pallas_call(
    _prep_body,
    out_shape=[
        jax.ShapeDtypeStruct((_N, 1), jnp.float32),
        jax.ShapeDtypeStruct((_N, _D), jnp.float32),
    ],
)


def _combine_body(has_res, has_next, *refs):
    if has_res and has_next:
        (s_ref, hp_ref, dinv_ref, b_ref, g_ref, be_ref,
         hprev_ref, wn_ref, y_ref, hn_ref) = refs
    elif has_next:
        (s_ref, hp_ref, dinv_ref, b_ref, g_ref, be_ref,
         wn_ref, y_ref, hn_ref) = refs
    else:
        (s_ref, hp_ref, dinv_ref, b_ref, g_ref, be_ref,
         hprev_ref, y_ref) = refs

    dinv = dinv_ref[...]
    agg = s_ref[0, 0:_N, :] + s_ref[1, 0:_N, :] + hp_ref[...]
    z = dinv * agg + b_ref[...]
    mu = jnp.mean(z, axis=0, keepdims=True)
    zc = z - mu
    var = jnp.mean(zc * zc, axis=0, keepdims=True)
    y = g_ref[...] * zc * lax.rsqrt(var + _EPS) + be_ref[...]
    y = jnp.maximum(y, 0.0)
    if has_res:
        y = y + hprev_ref[...]
    y_ref[...] = y
    if has_next:
        hn_ref[...] = dinv * jnp.dot(y, wn_ref[...],
                                     preferred_element_type=jnp.float32)


def _make_combine(has_res, has_next):
    outs = [jax.ShapeDtypeStruct((_N, _D), jnp.float32)]
    if has_next:
        outs.append(jax.ShapeDtypeStruct((_N, _D), jnp.float32))
    return pl.pallas_call(
        functools.partial(_combine_body, has_res, has_next),
        out_shape=outs,
    )


_combine_first = _make_combine(False, True)
_combine_mid = _make_combine(True, True)
_combine_last = _make_combine(True, False)


def kernel(x, edge_index, W1, b1, g1, be1, W2, b2, g2, be2, W3, b3, g3, be3):
    src3 = edge_index[0].reshape(_NW, _NCHUNK, _CH)
    dst3 = edge_index[1].reshape(_NW, _NCHUNK, _CH)

    b1r, g1r, be1r = b1.reshape(1, _D), g1.reshape(1, _D), be1.reshape(1, _D)
    b2r, g2r, be2r = b2.reshape(1, _D), g2.reshape(1, _D), be2.reshape(1, _D)
    b3r, g3r, be3r = b3.reshape(1, _D), g3.reshape(1, _D), be3.reshape(1, _D)

    n_pass = jnp.int32(4) + lax.shift_right_logical(dst3[0, 0, 0],
                                                    jnp.int32(30))

    def _cond(st):
        return st[0] < n_pass

    def _step(st):
        i, dinv, hp, hres = st

        s = _scatter_kernel(hp, src3, dst3)

        def _pass0(_):
            dinv2, hp2 = _prep_call(s, x, W1)
            return (dinv2, hp2, hres)

        def _pass1(_):
            h1, hp2 = _combine_first(s, hp, dinv, b1r, g1r, be1r, W2)
            return (dinv, hp2, h1)

        def _pass2(_):
            h2, hp3 = _combine_mid(s, hp, dinv, b2r, g2r, be2r, hres, W3)
            return (dinv, hp3, h2)

        def _pass3(_):
            (h3,) = _combine_last(s, hp, dinv, b3r, g3r, be3r, hres)
            return (dinv, hp, h3)

        new_carry = lax.switch(i, [_pass0, _pass1, _pass2, _pass3], None)
        return (i + 1,) + new_carry

    init = (
        jnp.int32(0),
        jnp.zeros((_N, 1), jnp.float32),
        jnp.ones((_N, _D), jnp.float32),
        jnp.zeros((_N, _D), jnp.float32),
    )
    _, _, _, h3 = lax.while_loop(_cond, _step, init)
    return h3

# --- scband reference (transcript-rebuilt; emitter-appended) ---
"""Pipeline reference for scband-improved-gcnencoder-85117661872506 (READ-ONLY COPY).

The authoritative reference and input builder live on the scoring server;
editing this copy changes nothing except your own understanding.
"""

import jax, jax.numpy as jnp
import numpy as np

N = 10000
E = 320000
D = 128
EPS = 1e-5


def setup_inputs(seed: int = 0) -> dict:
    key = jax.random.key(seed)
    ks = jax.random.split(key, 14)
    inp = {}
    inp["x"] = jax.random.normal(ks[0], (N, D), dtype=jnp.float32)
    inp["edge_index"] = jax.random.randint(ks[1], (2, E), 0, N, dtype=jnp.int32)
    for i in range(3):
        inp[f"W{i+1}"] = jax.random.normal(ks[2 + 4 * i], (D, D), dtype=jnp.float32) * 0.05
        inp[f"b{i+1}"] = jnp.zeros((D,), dtype=jnp.float32)
        inp[f"g{i+1}"] = jnp.ones((D,), dtype=jnp.float32)
        inp[f"be{i+1}"] = jnp.zeros((D,), dtype=jnp.float32)
    return inp


def gcn_conv(x, edge_index, W, b):
    # PyG-style GCNConv: add self loops, symmetric normalization, linear transform, scatter-add
    src = edge_index[0]
    dst = edge_index[1]
    loop = jnp.arange(N, dtype=src.dtype)
    src = jnp.concatenate([src, loop])
    dst = jnp.concatenate([dst, loop])
    deg = jax.ops.segment_sum(jnp.ones(src.shape[0], dtype=x.dtype), dst, num_segments=N)
    dinv = jnp.where(deg > 0, 1.0 / jnp.sqrt(jnp.maximum(deg, 1e-12)), 0.0)
    norm = dinv[src] * dinv[dst]
    h = x @ W
    msg = h[src] * norm[:, None]
    out = jax.ops.segment_sum(msg, dst, num_segments=N)
    return out + b


def batch_norm(x, g, be):
    # BatchNorm1d in training mode: batch statistics, biased variance
    mu = jnp.mean(x, axis=0)
    var = jnp.var(x, axis=0)
    return g * (x - mu) / jnp.sqrt(var + EPS) + be


def reference(x, edge_index, W1, b1, g1, be1, W2, b2, g2, be2, W3, b3, g3, be3):
    h = x
    params = [(W1, b1, g1, be1), (W2, b2, g2, be2), (W3, b3, g3, be3)]
    for i, (W, b, g, be) in enumerate(params):
        h_prev = h
        h = gcn_conv(h, edge_index, W, b)
        h = batch_norm(h, g, be)
        h = jax.nn.relu(h)
        if i > 0:
            h = h + h_prev
    return h

if __name__ == "__main__":
    import jax
    _d = setup_inputs()
    print(jax.jit(kernel)(*tuple(_d.values())))

</pallas_src>

<mosaic_0001>
#map = affine_map<(d0, d1) -> (0, 0)>
#map1 = affine_map<(d0, d1) -> (0, 0, 0)>
module attributes {stable_mosaic.version = 14 : i64} {
  func.func @_scatter_kernel(%arg0: i32, %arg1: i32, %arg2: memref<10000x128xf32, #tpu.memory_space<hbm>>, %arg3: memref<32x125x80xi32, #tpu.memory_space<hbm>>, %arg4: memref<32x125x80xi32, #tpu.memory_space<hbm>>, %arg5: memref<2x12288x128xf32, #tpu.memory_space<hbm>>, %arg6: memref<125x80xi32, #tpu.memory_space<vmem>>, %arg7: memref<125x80xi32, #tpu.memory_space<vmem>>, %arg8: memref<125x80xi32, #tpu.memory_space<vmem>>, %arg9: memref<80x128xf32, #tpu.memory_space<vmem>>, %arg10: memref<264x128xf32, #tpu.memory_space<vmem>>, %arg11: memref<4224x128xf32, #tpu.memory_space<vmem_shared>>, %arg12: memref<!tpu.dma_semaphore, #tpu.memory_space<semaphore_mem>>, %arg13: memref<!tpu.dma_semaphore, #tpu.memory_space<semaphore_mem>>) attributes {dimension_semantics = [#tpu.dimension_semantics<core_parallel>, #tpu.dimension_semantics<subcore_parallel>], iteration_bounds = array<i64: 2, 16>, scalar_prefetch = 0 : i64, scratch_operands = 8 : i64, tpu.core_type = #tpu.core_type<sc_vector_subcore>, window_params = [{transform_indices = #map}, {transform_indices = #map1}, {transform_indices = #map1}, {transform_indices = #map1}]} {
    %mul3A = arith.constant 16 : i32
    %mul3A_0 = arith.muli %arg0, %mul3A : i32
    %add3A = arith.addi %mul3A_0, %arg1 : i32
    "tpu.region"() ({
      %run_scoped3A = tpu.sem_alloc : memref<!tpu.dma_semaphore, #tpu.memory_space<semaphore_mem>>
      %dma_start3A = arith.constant 0 : i32
      %dma_start3A_107 = arith.constant 0 : i32
      %dma_start3A_108 = tpu.memref_slice %arg3[%add3A, %dma_start3A, %dma_start3A_107] : memref<32x125x80xi32, #tpu.memory_space<hbm>> -> memref<1x125x80xi32, #tpu.memory_space<hbm>>
      %dma_start3A_109 = tpu.memref_squeeze %dma_start3A_108 : memref<1x125x80xi32, #tpu.memory_space<hbm>> -> memref<125x80xi32, #tpu.memory_space<hbm>>
      %dma_start3A_110 = arith.constant 0 : i32
      %dma_start3A_111 = arith.constant 0 : i32
      %dma_start3A_112 = tpu.memref_slice %arg3[%add3A, %dma_start3A_110, %dma_start3A_111] : memref<32x125x80xi32, #tpu.memory_space<hbm>> -> memref<1x125x80xi32, #tpu.memory_space<hbm>>
      %dma_start3A_113 = tpu.memref_squeeze %dma_start3A_112 : memref<1x125x80xi32, #tpu.memory_space<hbm>> -> memref<125x80xi32, #tpu.memory_space<hbm>>
      tpu.enqueue_dma source(%dma_start3A_113 : memref<125x80xi32, #tpu.memory_space<hbm>>) target(%arg6 : memref<125x80xi32, #tpu.memory_space<vmem>>) target_semaphore(%run_scoped3A : memref<!tpu.dma_semaphore, #tpu.memory_space<semaphore_mem>>)
      %dma_wait3A = arith.constant 0 : i32
      %dma_wait3A_114 = arith.constant 0 : i32
      %dma_wait3A_115 = tpu.memref_slice %arg3[%add3A, %dma_wait3A, %dma_wait3A_114] : memref<32x125x80xi32, #tpu.memory_space<hbm>> -> memref<1x125x80xi32, #tpu.memory_space<hbm>>
      %dma_wait3A_116 = tpu.memref_squeeze %dma_wait3A_115 : memref<1x125x80xi32, #tpu.memory_space<hbm>> -> memref<125x80xi32, #tpu.memory_space<hbm>>
      %dma_wait3A_117 = arith.constant 0 : i32
      %dma_wait3A_118 = arith.constant 0 : i32
      %dma_wait3A_119 = tpu.memref_slice %arg3[%add3A, %dma_wait3A_117, %dma_wait3A_118] : memref<32x125x80xi32, #tpu.memory_space<hbm>> -> memref<1x125x80xi32, #tpu.memory_space<hbm>>
      %dma_wait3A_120 = tpu.memref_squeeze %dma_wait3A_119 : memref<1x125x80xi32, #tpu.memory_space<hbm>> -> memref<125x80xi32, #tpu.memory_space<hbm>>
      tpu.wait_dma2 semaphore(%run_scoped3A : memref<!tpu.dma_semaphore, #tpu.memory_space<semaphore_mem>>) src(%dma_wait3A_120 : memref<125x80xi32, #tpu.memory_space<hbm>>) dst(%arg6 : memref<125x80xi32, #tpu.memory_space<vmem>>)
      tpu.yield
    }) : () -> ()
    "tpu.region"() ({
      %run_scoped3A = tpu.sem_alloc : memref<!tpu.dma_semaphore, #tpu.memory_space<semaphore_mem>>
      %dma_start3A = arith.constant 0 : i32
      %dma_start3A_107 = arith.constant 0 : i32
      %dma_start3A_108 = tpu.memref_slice %arg4[%add3A, %dma_start3A, %dma_start3A_107] : memref<32x125x80xi32, #tpu.memory_space<hbm>> -> memref<1x125x80xi32, #tpu.memory_space<hbm>>
      %dma_start3A_109 = tpu.memref_squeeze %dma_start3A_108 : memref<1x125x80xi32, #tpu.memory_space<hbm>> -> memref<125x80xi32, #tpu.memory_space<hbm>>
      %dma_start3A_110 = arith.constant 0 : i32
      %dma_start3A_111 = arith.constant 0 : i32
      %dma_start3A_112 = tpu.memref_slice %arg4[%add3A, %dma_start3A_110, %dma_start3A_111] : memref<32x125x80xi32, #tpu.memory_space<hbm>> -> memref<1x125x80xi32, #tpu.memory_space<hbm>>
      %dma_start3A_113 = tpu.memref_squeeze %dma_start3A_112 : memref<1x125x80xi32, #tpu.memory_space<hbm>> -> memref<125x80xi32, #tpu.memory_space<hbm>>
      tpu.enqueue_dma source(%dma_start3A_113 : memref<125x80xi32, #tpu.memory_space<hbm>>) target(%arg7 : memref<125x80xi32, #tpu.memory_space<vmem>>) target_semaphore(%run_scoped3A : memref<!tpu.dma_semaphore, #tpu.memory_space<semaphore_mem>>)
      %dma_wait3A = arith.constant 0 : i32
      %dma_wait3A_114 = arith.constant 0 : i32
      %dma_wait3A_115 = tpu.memref_slice %arg4[%add3A, %dma_wait3A, %dma_wait3A_114] : memref<32x125x80xi32, #tpu.memory_space<hbm>> -> memref<1x125x80xi32, #tpu.memory_space<hbm>>
      %dma_wait3A_116 = tpu.memref_squeeze %dma_wait3A_115 : memref<1x125x80xi32, #tpu.memory_space<hbm>> -> memref<125x80xi32, #tpu.memory_space<hbm>>
      %dma_wait3A_117 = arith.constant 0 : i32
      %dma_wait3A_118 = arith.constant 0 : i32
      %dma_wait3A_119 = tpu.memref_slice %arg4[%add3A, %dma_wait3A_117, %dma_wait3A_118] : memref<32x125x80xi32, #tpu.memory_space<hbm>> -> memref<1x125x80xi32, #tpu.memory_space<hbm>>
      %dma_wait3A_120 = tpu.memref_squeeze %dma_wait3A_119 : memref<1x125x80xi32, #tpu.memory_space<hbm>> -> memref<125x80xi32, #tpu.memory_space<hbm>>
      tpu.wait_dma2 semaphore(%run_scoped3A : memref<!tpu.dma_semaphore, #tpu.memory_space<semaphore_mem>>) src(%dma_wait3A_120 : memref<125x80xi32, #tpu.memory_space<hbm>>) dst(%arg7 : memref<125x80xi32, #tpu.memory_space<vmem>>)
      tpu.yield
    }) : () -> ()
    %scan3A = arith.constant 0 : i32
    %scan3A_1 = arith.constant 0 : i32
    %scan3A_2 = arith.constant 264 : i32
    %scan3A_3 = arith.addi %scan3A_1, %scan3A_2 : i32
    %scan3A_4 = arith.constant 1 : i32
    %scan3A_5 = scf.for %scan3A_107 = %scan3A_1 to %scan3A_3 step %scan3A_4 iter_args(%scan3A_108 = %scan3A) -> (i32)  : i32 {
      %broadcast_in_dim3A = arith.constant 0.000000e+00 : f32
      %broadcast_in_dim3A_109 = vector.broadcast %broadcast_in_dim3A : f32 to vector<16xf32>
      %swap3A = arith.index_cast %scan3A_107 : i32 to index
      %swap3A_110 = arith.constant 0 : index
      %swap3A_111 = tpu.vector_load %arg10[%swap3A, %swap3A_110] {strides = array<i32>} : memref<264x128xf32, #tpu.memory_space<vmem>>, vector<1x16xf32>,
      %swap3A_112 = vector.shape_cast %swap3A_111 : vector<1x16xf32> to vector<16xf32>
      %swap3A_113 = vector.shape_cast %broadcast_in_dim3A_109 : vector<16xf32> to vector<1x16xf32>
      tpu.vector_store %arg10[%swap3A, %swap3A_110], %swap3A_113 {strides = array<i32>} : memref<264x128xf32, #tpu.memory_space<vmem>>, vector<1x16xf32>,
      %broadcast_in_dim3A_114 = arith.constant 0.000000e+00 : f32
      %broadcast_in_dim3A_115 = vector.broadcast %broadcast_in_dim3A_114 : f32 to vector<16xf32>
      %swap3A_116 = arith.index_cast %scan3A_107 : i32 to index
      %swap3A_117 = arith.constant 16 : index
      %swap3A_118 = tpu.vector_load %arg10[%swap3A_116, %swap3A_117] {strides = array<i32>} : memref<264x128xf32, #tpu.memory_space<vmem>>, vector<1x16xf32>,
      %swap3A_119 = vector.shape_cast %swap3A_118 : vector<1x16xf32> to vector<16xf32>
      %swap3A_120 = vector.shape_cast %broadcast_in_dim3A_115 : vector<16xf32> to vector<1x16xf32>
      tpu.vector_store %arg10[%swap3A_116, %swap3A_117], %swap3A_120 {strides = array<i32>} : memref<264x128xf32, #tpu.memory_space<vmem>>, vector<1x16xf32>,
      %broadcast_in_dim3A_121 = arith.constant 0.000000e+00 : f32
      %broadcast_in_dim3A_122 = vector.broadcast %broadcast_in_dim3A_121 : f32 to vector<16xf32>
      %swap3A_123 = arith.index_cast %scan3A_107 : i32 to index
      %swap3A_124 = arith.constant 32 : index
      %swap3A_125 = tpu.vector_load %arg10[%swap3A_123, %swap3A_124] {strides = array<i32>} : memref<264x128xf32, #tpu.memory_space<vmem>>, vector<1x16xf32>,
      %swap3A_126 = vector.shape_cast %swap3A_125 : vector<1x16xf32> to vector<16xf32>
      %swap3A_127 = vector.shape_cast %broadcast_in_dim3A_122 : vector<16xf32> to vector<1x16xf32>
      tpu.vector_store %arg10[%swap3A_123, %swap3A_124], %swap3A_127 {strides = array<i32>} : memref<264x128xf32, #tpu.memory_space<vmem>>, vector<1x16xf32>,
      %broadcast_in_dim3A_128 = arith.constant 0.000000e+00 : f32
      %broadcast_in_dim3A_129 = vector.broadcast %broadcast_in_dim3A_128 : f32 to vector<16xf32>
      %swap3A_130 = arith.index_cast %scan3A_107 : i32 to index
      %swap3A_131 = arith.constant 48 : index
      %swap3A_132 = tpu.vector_load %arg10[%swap3A_130, %swap3A_131] {strides = array<i32>} : memref<264x128xf32, #tpu.memory_space<vmem>>, vector<1x16xf32>,
      %swap3A_133 = vector.shape_cast %swap3A_132 : vector<1x16xf32> to vector<16xf32>
      %swap3A_134 = vector.shape_cast %broadcast_in_dim3A_129 : vector<16xf32> to vector<1x16xf32>
      tpu.vector_store %arg10[%swap3A_130, %swap3A_131], %swap3A_134 {strides = array<i32>} : memref<264x128xf32, #tpu.memory_space<vmem>>, vector<1x16xf32>,
      %broadcast_in_dim3A_135 = arith.constant 0.000000e+00 : f32
      %broadcast_in_dim3A_136 = vector.broadcast %broadcast_in_dim3A_135 : f32 to vector<16xf32>
      %swap3A_137 = arith.index_cast %scan3A_107 : i32 to index
      %swap3A_138 = arith.constant 64 : index
      %swap3A_139 = tpu.vector_load %arg10[%swap3A_137, %swap3A_138] {strides = array<i32>} : memref<264x128xf32, #tpu.memory_space<vmem>>, vector<1x16xf32>,
      %swap3A_140 = vector.shape_cast %swap3A_139 : vector<1x16xf32> to vector<16xf32>
      %swap3A_141 = vector.shape_cast %broadcast_in_dim3A_136 : vector<16xf32> to vector<1x16xf32>
      tpu.vector_store %arg10[%swap3A_137, %swap3A_138], %swap3A_141 {strides = array<i32>} : memref<264x128xf32, #tpu.memory_space<vmem>>, vector<1x16xf32>,
      %broadcast_in_dim3A_142 = arith.constant 0.000000e+00 : f32
      %broadcast_in_dim3A_143 = vector.broadcast %broadcast_in_dim3A_142 : f32 to vector<16xf32>
      %swap3A_144 = arith.index_cast %scan3A_107 : i32 to index
      %swap3A_145 = arith.constant 80 : index
      %swap3A_146 = tpu.vector_load %arg10[%swap3A_144, %swap3A_145] {strides = array<i32>} : memref<264x128xf32, #tpu.memory_space<vmem>>, vector<1x16xf32>,
      %swap3A_147 = vector.shape_cast %swap3A_146 : vector<1x16xf32> to vector<16xf32>
      %swap3A_148 = vector.shape_cast %broadcast_in_dim3A_143 : vector<16xf32> to vector<1x16xf32>
      tpu.vector_store %arg10[%swap3A_144, %swap3A_145], %swap3A_148 {strides = array<i32>} : memref<264x128xf32, #tpu.memory_space<vmem>>, vector<1x16xf32>,
      %broadcast_in_dim3A_149 = arith.constant 0.000000e+00 : f32
      %broadcast_in_dim3A_150 = vector.broadcast %broadcast_in_dim3A_149 : f32 to vector<16xf32>
      %swap3A_151 = arith.index_cast %scan3A_107 : i32 to index
      %swap3A_152 = arith.constant 96 : index
      %swap3A_153 = tpu.vector_load %arg10[%swap3A_151, %swap3A_152] {strides = array<i32>} : memref<264x128xf32, #tpu.memory_space<vmem>>, vector<1x16xf32>,
      %swap3A_154 = vector.shape_cast %swap3A_153 : vector<1x16xf32> to vector<16xf32>
      %swap3A_155 = vector.shape_cast %broadcast_in_dim3A_150 : vector<16xf32> to vector<1x16xf32>
      tpu.vector_store %arg10[%swap3A_151, %swap3A_152], %swap3A_155 {strides = array<i32>} : memref<264x128xf32, #tpu.memory_space<vmem>>, vector<1x16xf32>,
      %broadcast_in_dim3A_156 = arith.constant 0.000000e+00 : f32
      %broadcast_in_dim3A_157 = vector.broadcast %broadcast_in_dim3A_156 : f32 to vector<16xf32>
      %swap3A_158 = arith.index_cast %scan3A_107 : i32 to index
      %swap3A_159 = arith.constant 112 : index
      %swap3A_160 = tpu.vector_load %arg10[%swap3A_158, %swap3A_159] {strides = array<i32>} : memref<264x128xf32, #tpu.memory_space<vmem>>, vector<1x16xf32>,
      %swap3A_161 = vector.shape_cast %swap3A_160 : vector<1x16xf32> to vector<16xf32>
      %swap3A_162 = vector.shape_cast %broadcast_in_dim3A_157 : vector<16xf32> to vector<1x16xf32>
      tpu.vector_store %arg10[%swap3A_158, %swap3A_159], %swap3A_162 {strides = array<i32>} : memref<264x128xf32, #tpu.memory_space<vmem>>, vector<1x16xf32>,
      %scan3A_163 = arith.constant 0 : i32
      scf.yield %scan3A_163 : i32
    }
    %scan3A_6 = arith.constant 264 : i32
    %mul3A_7 = arith.constant 264 : i32
    %mul3A_8 = arith.muli %arg1, %mul3A_7 : i32
    "tpu.region"() ({
      %run_scoped3A = tpu.sem_alloc : memref<!tpu.dma_semaphore, #tpu.memory_space<semaphore_mem>>
      %dma_start3A = arith.constant 0 : i32
      %dma_start3A_107 = tpu.memref_slice %arg11[%mul3A_8, %dma_start3A] : memref<4224x128xf32, #tpu.memory_space<vmem_shared>> -> memref<264x128xf32, #tpu.memory_space<vmem_shared>>
      %dma_start3A_108 = arith.constant 0 : i32
      %dma_start3A_109 = tpu.memref_slice %arg11[%mul3A_8, %dma_start3A_108] : memref<4224x128xf32, #tpu.memory_space<vmem_shared>> -> memref<264x128xf32, #tpu.memory_space<vmem_shared>>
      tpu.enqueue_dma source(%arg10 : memref<264x128xf32, #tpu.memory_space<vmem>>) target(%dma_start3A_109 : memref<264x128xf32, #tpu.memory_space<vmem_shared>>) target_semaphore(%run_scoped3A : memref<!tpu.dma_semaphore, #tpu.memory_space<semaphore_mem>>)
      %dma_wait3A = arith.constant 0 : i32
      %dma_wait3A_110 = tpu.memref_slice %arg11[%mul3A_8, %dma_wait3A] : memref<4224x128xf32, #tpu.memory_space<vmem_shared>> -> memref<264x128xf32, #tpu.memory_space<vmem_shared>>
      %dma_wait3A_111 = arith.constant 0 : i32
      %dma_wait3A_112 = tpu.memref_slice %arg11[%mul3A_8, %dma_wait3A_111] : memref<4224x128xf32, #tpu.memory_space<vmem_shared>> -> memref<264x128xf32, #tpu.memory_space<vmem_shared>>
      tpu.wait_dma2 semaphore(%run_scoped3A : memref<!tpu.dma_semaphore, #tpu.memory_space<semaphore_mem>>) src(%arg10 : memref<264x128xf32, #tpu.memory_space<vmem>>) dst(%dma_wait3A_112 : memref<264x128xf32, #tpu.memory_space<vmem_shared>>)
      tpu.yield
    }) : () -> ()
    %scan3A_9 = arith.constant 0 : i32
    %scan3A_10 = arith.constant 4096 : i32
    %scan3A_11 = arith.constant 127 : i32
    %scan3A_12 = arith.constant 4096 : i32
    %scan3A_13 = arith.constant 0 : i32
    %scan3A_14 = arith.constant 0 : i32
    %scan3A_15 = arith.constant 125 : i32
    %scan3A_16 = arith.addi %scan3A_14, %scan3A_15 : i32
    %scan3A_17 = arith.constant 1 : i32
    %scan3A_18 = scf.for %scan3A_107 = %scan3A_14 to %scan3A_16 step %scan3A_17 iter_args(%scan3A_108 = %scan3A_13) -> (i32)  : i32 {
      %get3A = arith.index_cast %scan3A_107 : i32 to index
      %get3A_109 = arith.constant 0 : index
      %get3A_110 = tpu.vector_load %arg7[%get3A, %get3A_109] {strides = array<i32>} : memref<125x80xi32, #tpu.memory_space<vmem>>, vector<1x16xi32>,
      %get3A_111 = vector.shape_cast %get3A_110 : vector<1x16xi32> to vector<16xi32>
      %ge3A = vector.broadcast %scan3A_9 : i32 to vector<16xi32>
      %ge3A_112 = arith.cmpi sge, %get3A_111, %ge3A : vector<16xi32>
      %lt3A = vector.broadcast %scan3A_10 : i32 to vector<16xi32>
      %lt3A_113 = arith.cmpi slt, %get3A_111, %lt3A : vector<16xi32>
      %and3A = arith.andi %ge3A_112, %lt3A_113 : vector<16xi1>
      %sub3A = vector.broadcast %scan3A_9 : i32 to vector<16xi32>
      %sub3A_114 = arith.subi %get3A_111, %sub3A : vector<16xi32>
      %and3A_115 = vector.broadcast %scan3A_11 : i32 to vector<16xi32>
      %and3A_116 = arith.andi %get3A_111, %and3A_115 : vector<16xi32>
      %add3A_117 = vector.broadcast %scan3A_12 : i32 to vector<16xi32>
      %add3A_118 = arith.addi %add3A_117, %and3A_116 : vector<16xi32>
      %select_n3A = arith.select %and3A, %sub3A_114, %add3A_118 : vector<16xi1>, vector<16xi32>
      %swap3A = arith.index_cast %scan3A_107 : i32 to index
      %swap3A_119 = arith.constant 0 : index
      %swap3A_120 = tpu.vector_load %arg8[%swap3A, %swap3A_119] {strides = array<i32>} : memref<125x80xi32, #tpu.memory_space<vmem>>, vector<1x16xi32>,
      %swap3A_121 = vector.shape_cast %swap3A_120 : vector<1x16xi32> to vector<16xi32>
      %swap3A_122 = vector.shape_cast %select_n3A : vector<16xi32> to vector<1x16xi32>
      tpu.vector_store %arg8[%swap3A, %swap3A_119], %swap3A_122 {strides = array<i32>} : memref<125x80xi32, #tpu.memory_space<vmem>>, vector<1x16xi32>,
      %get3A_123 = arith.index_cast %scan3A_107 : i32 to index
      %get3A_124 = arith.constant 16 : index
      %get3A_125 = tpu.vector_load %arg7[%get3A_123, %get3A_124] {strides = array<i32>} : memref<125x80xi32, #tpu.memory_space<vmem>>, vector<1x16xi32>,
      %get3A_126 = vector.shape_cast %get3A_125 : vector<1x16xi32> to vector<16xi32>
      %ge3A_127 = vector.broadcast %scan3A_9 : i32 to vector<16xi32>
      %ge3A_128 = arith.cmpi sge, %get3A_126, %ge3A_127 : vector<16xi32>
      %lt3A_129 = vector.broadcast %scan3A_10 : i32 to vector<16xi32>
      %lt3A_130 = arith.cmpi slt, %get3A_126, %lt3A_129 : vector<16xi32>
      %and3A_131 = arith.andi %ge3A_128, %lt3A_130 : vector<16xi1>
      %sub3A_132 = vector.broadcast %scan3A_9 : i32 to vector<16xi32>
      %sub3A_133 = arith.subi %get3A_126, %sub3A_132 : vector<16xi32>
      %and3A_134 = vector.broadcast %scan3A_11 : i32 to vector<16xi32>
      %and3A_135 = arith.andi %get3A_126, %and3A_134 : vector<16xi32>
      %add3A_136 = vector.broadcast %scan3A_12 : i32 to vector<16xi32>
      %add3A_137 = arith.addi %add3A_136, %and3A_135 : vector<16xi32>
      %select_n3A_138 = arith.select %and3A_131, %sub3A_133, %add3A_137 : vector<16xi1>, vector<16xi32>
      %swap3A_139 = arith.index_cast %scan3A_107 : i32 to index
      %swap3A_140 = arith.constant 16 : index
      %swap3A_141 = tpu.vector_load %arg8[%swap3A_139, %swap3A_140] {strides = array<i32>} : memref<125x80xi32, #tpu.memory_space<vmem>>, vector<1x16xi32>,
      %swap3A_142 = vector.shape_cast %swap3A_141 : vector<1x16xi32> to vector<16xi32>
      %swap3A_143 = vector.shape_cast %select_n3A_138 : vector<16xi32> to vector<1x16xi32>
      tpu.vector_store %arg8[%swap3A_139, %swap3A_140], %swap3A_143 {strides = array<i32>} : memref<125x80xi32, #tpu.memory_space<vmem>>, vector<1x16xi32>,
      %get3A_144 = arith.index_cast %scan3A_107 : i32 to index
      %get3A_145 = arith.constant 32 : index
      %get3A_146 = tpu.vector_load %arg7[%get3A_144, %get3A_145] {strides = array<i32>} : memref<125x80xi32, #tpu.memory_space<vmem>>, vector<1x16xi32>,
      %get3A_147 = vector.shape_cast %get3A_146 : vector<1x16xi32> to vector<16xi32>
      %ge3A_148 = vector.broadcast %scan3A_9 : i32 to vector<16xi32>
      %ge3A_149 = arith.cmpi sge, %get3A_147, %ge3A_148 : vector<16xi32>
      %lt3A_150 = vector.broadcast %scan3A_10 : i32 to vector<16xi32>
      %lt3A_151 = arith.cmpi slt, %get3A_147, %lt3A_150 : vector<16xi32>
      %and3A_152 = arith.andi %ge3A_149, %lt3A_151 : vector<16xi1>
      %sub3A_153 = vector.broadcast %scan3A_9 : i32 to vector<16xi32>
      %sub3A_154 = arith.subi %get3A_147, %sub3A_153 : vector<16xi32>
      %and3A_155 = vector.broadcast %scan3A_11 : i32 to vector<16xi32>
      %and3A_156 = arith.andi %get3A_147, %and3A_155 : vector<16xi32>
      %add3A_157 = vector.broadcast %scan3A_12 : i32 to vector<16xi32>
      %add3A_158 = arith.addi %add3A_157, %and3A_156 : vector<16xi32>
      %select_n3A_159 = arith.select %and3A_152, %sub3A_154, %add3A_158 : vector<16xi1>, vector<16xi32>
      %swap3A_160 = arith.index_cast %scan3A_107 : i32 to index
      %swap3A_161 = arith.constant 32 : index
      %swap3A_162 = tpu.vector_load %arg8[%swap3A_160, %swap3A_161] {strides = array<i32>} : memref<125x80xi32, #tpu.memory_space<vmem>>, vector<1x16xi32>,
      %swap3A_163 = vector.shape_cast %swap3A_162 : vector<1x16xi32> to vector<16xi32>
      %swap3A_164 = vector.shape_cast %select_n3A_159 : vector<16xi32> to vector<1x16xi32>
      tpu.vector_store %arg8[%swap3A_160, %swap3A_161], %swap3A_164 {strides = array<i32>} : memref<125x80xi32, #tpu.memory_space<vmem>>, vector<1x16xi32>,
      %get3A_165 = arith.index_cast %scan3A_107 : i32 to index
      %get3A_166 = arith.constant 48 : index
      %get3A_167 = tpu.vector_load %arg7[%get3A_165, %get3A_166] {strides = array<i32>} : memref<125x80xi32, #tpu.memory_space<vmem>>, vector<1x16xi32>,
      %get3A_168 = vector.shape_cast %get3A_167 : vector<1x16xi32> to vector<16xi32>
      %ge3A_169 = vector.broadcast %scan3A_9 : i32 to vector<16xi32>
      %ge3A_170 = arith.cmpi sge, %get3A_168, %ge3A_169 : vector<16xi32>
      %lt3A_171 = vector.broadcast %scan3A_10 : i32 to vector<16xi32>
      %lt3A_172 = arith.cmpi slt, %get3A_168, %lt3A_171 : vector<16xi32>
      %and3A_173 = arith.andi %ge3A_170, %lt3A_172 : vector<16xi1>
      %sub3A_174 = vector.broadcast %scan3A_9 : i32 to vector<16xi32>
      %sub3A_175 = arith.subi %get3A_168, %sub3A_174 : vector<16xi32>
      %and3A_176 = vector.broadcast %scan3A_11 : i32 to vector<16xi32>
      %and3A_177 = arith.andi %get3A_168, %and3A_176 : vector<16xi32>
      %add3A_178 = vector.broadcast %scan3A_12 : i32 to vector<16xi32>
      %add3A_179 = arith.addi %add3A_178, %and3A_177 : vector<16xi32>
      %select_n3A_180 = arith.select %and3A_173, %sub3A_175, %add3A_179 : vector<16xi1>, vector<16xi32>
      %swap3A_181 = arith.index_cast %scan3A_107 : i32 to index
      %swap3A_182 = arith.constant 48 : index
      %swap3A_183 = tpu.vector_load %arg8[%swap3A_181, %swap3A_182] {strides = array<i32>} : memref<125x80xi32, #tpu.memory_space<vmem>>, vector<1x16xi32>,
      %swap3A_184 = vector.shape_cast %swap3A_183 : vector<1x16xi32> to vector<16xi32>
      %swap3A_185 = vector.shape_cast %select_n3A_180 : vector<16xi32> to vector<1x16xi32>
      tpu.vector_store %arg8[%swap3A_181, %swap3A_182], %swap3A_185 {strides = array<i32>} : memref<125x80xi32, #tpu.memory_space<vmem>>, vector<1x16xi32>,
      %get3A_186 = arith.index_cast %scan3A_107 : i32 to index
      %get3A_187 = arith.constant 64 : index
      %get3A_188 = tpu.vector_load %arg7[%get3A_186, %get3A_187] {strides = array<i32>} : memref<125x80xi32, #tpu.memory_space<vmem>>, vector<1x16xi32>,
      %get3A_189 = vector.shape_cast %get3A_188 : vector<1x16xi32> to vector<16xi32>
      %ge3A_190 = vector.broadcast %scan3A_9 : i32 to vector<16xi32>
      %ge3A_191 = arith.cmpi sge, %get3A_189, %ge3A_190 : vector<16xi32>
      %lt3A_192 = vector.broadcast %scan3A_10 : i32 to vector<16xi32>
      %lt3A_193 = arith.cmpi slt, %get3A_189, %lt3A_192 : vector<16xi32>
      %and3A_194 = arith.andi %ge3A_191, %lt3A_193 : vector<16xi1>
      %sub3A_195 = vector.broadcast %scan3A_9 : i32 to vector<16xi32>
      %sub3A_196 = arith.subi %get3A_189, %sub3A_195 : vector<16xi32>
      %and3A_197 = vector.broadcast %scan3A_11 : i32 to vector<16xi32>
      %and3A_198 = arith.andi %get3A_189, %and3A_197 : vector<16xi32>
      %add3A_199 = vector.broadcast %scan3A_12 : i32 to vector<16xi32>
      %add3A_200 = arith.addi %add3A_199, %and3A_198 : vector<16xi32>
      %select_n3A_201 = arith.select %and3A_194, %sub3A_196, %add3A_200 : vector<16xi1>, vector<16xi32>
      %swap3A_202 = arith.index_cast %scan3A_107 : i32 to index
      %swap3A_203 = arith.constant 64 : index
      %swap3A_204 = tpu.vector_load %arg8[%swap3A_202, %swap3A_203] {strides = array<i32>} : memref<125x80xi32, #tpu.memory_space<vmem>>, vector<1x16xi32>,
      %swap3A_205 = vector.shape_cast %swap3A_204 : vector<1x16xi32> to vector<16xi32>
      %swap3A_206 = vector.shape_cast %select_n3A_201 : vector<16xi32> to vector<1x16xi32>
      tpu.vector_store %arg8[%swap3A_202, %swap3A_203], %swap3A_206 {strides = array<i32>} : memref<125x80xi32, #tpu.memory_space<vmem>>, vector<1x16xi32>,
      %scan3A_207 = arith.constant 0 : i32
      scf.yield %scan3A_207 : i32
    }
    %scan3A_19 = arith.constant 125 : i32
    %barrier3A = arith.constant 0 : index
    tpu.barrier barrier_id(%barrier3A)
    %scan3A_20 = arith.constant 0 : i32
    %scan3A_21 = arith.constant 0 : i32
    %scan3A_22 = arith.constant 125 : i32
    %scan3A_23 = arith.addi %scan3A_21, %scan3A_22 : i32
    %scan3A_24 = arith.constant 1 : i32
    %scan3A_25 = scf.for %scan3A_107 = %scan3A_21 to %scan3A_23 step %scan3A_24 iter_args(%scan3A_108 = %scan3A_20) -> (i32)  : i32 {
      %dma_start3A = arith.constant 0 : i32
      %dma_start3A_109 = tpu.memref_slice %arg6[%scan3A_107, %dma_start3A] : memref<125x80xi32, #tpu.memory_space<vmem>> -> memref<1x80xi32, #tpu.memory_space<vmem>>
      %dma_start3A_110 = tpu.memref_squeeze %dma_start3A_109 : memref<1x80xi32, #tpu.memory_space<vmem>> -> memref<80xi32, #tpu.memory_space<vmem>>
      %dma_start3A_111 = arith.constant 0 : i32
      %dma_start3A_112 = arith.constant 0 : i32
      %dma_start3A_113 = tpu.memref_slice %arg2[%dma_start3A_111, %dma_start3A_112] : memref<10000x128xf32, #tpu.memory_space<hbm>> -> memref<10000x128xf32, #tpu.memory_space<hbm>>
      tpu.enqueue_indirect_dma source(%dma_start3A_113 : memref<10000x128xf32, #tpu.memory_space<hbm>>) target(%arg9 : memref<80x128xf32, #tpu.memory_space<vmem>>) offsets(%dma_start3A_110 : memref<80xi32, #tpu.memory_space<vmem>>) semaphore(%arg12 : memref<!tpu.dma_semaphore, #tpu.memory_space<semaphore_mem>>)
      %dma_wait3A = arith.constant 0 : i32
      %dma_wait3A_114 = tpu.memref_slice %arg6[%scan3A_107, %dma_wait3A] : memref<125x80xi32, #tpu.memory_space<vmem>> -> memref<1x80xi32, #tpu.memory_space<vmem>>
      %dma_wait3A_115 = tpu.memref_squeeze %dma_wait3A_114 : memref<1x80xi32, #tpu.memory_space<vmem>> -> memref<80xi32, #tpu.memory_space<vmem>>
      %dma_wait3A_116 = arith.constant 0 : i32
      %dma_wait3A_117 = arith.constant 0 : i32
      %dma_wait3A_118 = tpu.memref_slice %arg2[%dma_wait3A_116, %dma_wait3A_117] : memref<10000x128xf32, #tpu.memory_space<hbm>> -> memref<10000x128xf32, #tpu.memory_space<hbm>>
      tpu.wait_indirect_dma semaphore(%arg12 : memref<!tpu.dma_semaphore, #tpu.memory_space<semaphore_mem>>) src(%dma_wait3A_118 : memref<10000x128xf32, #tpu.memory_space<hbm>>) dst(%arg9 : memref<80x128xf32, #tpu.memory_space<vmem>>)
      %dma_start3A_119 = arith.constant 0 : i32
      %dma_start3A_120 = tpu.memref_slice %arg8[%scan3A_107, %dma_start3A_119] : memref<125x80xi32, #tpu.memory_space<vmem>> -> memref<1x80xi32, #tpu.memory_space<vmem>>
      %dma_start3A_121 = tpu.memref_squeeze %dma_start3A_120 : memref<1x80xi32, #tpu.memory_space<vmem>> -> memref<80xi32, #tpu.memory_space<vmem>>
      %dma_start3A_122 = arith.constant 0 : i32
      %dma_start3A_123 = arith.constant 0 : i32
      %dma_start3A_124 = tpu.memref_slice %arg11[%dma_start3A_122, %dma_start3A_123] : memref<4224x128xf32, #tpu.memory_space<vmem_shared>> -> memref<4224x128xf32, #tpu.memory_space<vmem_shared>>
      tpu.enqueue_indirect_dma source(%arg9 : memref<80x128xf32, #tpu.memory_space<vmem>>) target(%dma_start3A_124 : memref<4224x128xf32, #tpu.memory_space<vmem_shared>>) offsets(%dma_start3A_121 : memref<80xi32, #tpu.memory_space<vmem>>) semaphore(%arg13 : memref<!tpu.dma_semaphore, #tpu.memory_space<semaphore_mem>>) {add = true}
      %dma_wait3A_125 = arith.constant 0 : i32
      %dma_wait3A_126 = tpu.memref_slice %arg8[%scan3A_107, %dma_wait3A_125] : memref<125x80xi32, #tpu.memory_space<vmem>> -> memref<1x80xi32, #tpu.memory_space<vmem>>
      %dma_wait3A_127 = tpu.memref_squeeze %dma_wait3A_126 : memref<1x80xi32, #tpu.memory_space<vmem>> -> memref<80xi32, #tpu.memory_space<vmem>>
      %dma_wait3A_128 = arith.constant 0 : i32
      %dma_wait3A_129 = arith.constant 0 : i32
      %dma_wait3A_130 = tpu.memref_slice %arg11[%dma_wait3A_128, %dma_wait3A_129] : memref<4224x128xf32, #tpu.memory_space<vmem_shared>> -> memref<4224x128xf32, #tpu.memory_space<vmem_shared>>
      tpu.wait_indirect_dma semaphore(%arg13 : memref<!tpu.dma_semaphore, #tpu.memory_space<semaphore_mem>>) src(%arg9 : memref<80x128xf32, #tpu.memory_space<vmem>>) dst(%dma_wait3A_130 : memref<4224x128xf32, #tpu.memory_space<vmem_shared>>)
      %scan3A_131 = arith.constant 0 : i32
      scf.yield %scan3A_131 : i32
    }
    %scan3A_26 = arith.constant 125 : i32
    %barrier3A_27 = arith.constant 0 : index
    tpu.barrier barrier_id(%barrier3A_27)
    %mul3A_28 = arith.constant 256 : i32
    %mul3A_29 = arith.muli %arg1, %mul3A_28 : i32
    "tpu.region"() ({
      %run_scoped3A = tpu.sem_alloc : memref<!tpu.dma_semaphore, #tpu.memory_space<semaphore_mem>>
      %dma_start3A = arith.constant 0 : i32
      %dma_start3A_107 = arith.constant 0 : i32
      %dma_start3A_108 = tpu.memref_slice %arg10[%dma_start3A, %dma_start3A_107] : memref<264x128xf32, #tpu.memory_space<vmem>> -> memref<256x128xf32, #tpu.memory_space<vmem>>
      %dma_start3A_109 = arith.constant 0 : i32
      %dma_start3A_110 = tpu.memref_slice %arg11[%mul3A_29, %dma_start3A_109] : memref<4224x128xf32, #tpu.memory_space<vmem_shared>> -> memref<256x128xf32, #tpu.memory_space<vmem_shared>>
      %dma_start3A_111 = arith.constant 0 : i32
      %dma_start3A_112 = arith.constant 0 : i32
      %dma_start3A_113 = tpu.memref_slice %arg10[%dma_start3A_111, %dma_start3A_112] : memref<264x128xf32, #tpu.memory_space<vmem>> -> memref<256x128xf32, #tpu.memory_space<vmem>>
      %dma_start3A_114 = arith.constant 0 : i32
      %dma_start3A_115 = tpu.memref_slice %arg11[%mul3A_29, %dma_start3A_114] : memref<4224x128xf32, #tpu.memory_space<vmem_shared>> -> memref<256x128xf32, #tpu.memory_space<vmem_shared>>
      tpu.enqueue_dma source(%dma_start3A_115 : memref<256x128xf32, #tpu.memory_space<vmem_shared>>) target(%dma_start3A_113 : memref<256x128xf32, #tpu.memory_space<vmem>>) target_semaphore(%run_scoped3A : memref<!tpu.dma_semaphore, #tpu.memory_space<semaphore_mem>>)
      %dma_wait3A = arith.constant 0 : i32
      %dma_wait3A_116 = arith.constant 0 : i32
      %dma_wait3A_117 = tpu.memref_slice %arg10[%dma_wait3A, %dma_wait3A_116] : memref<264x128xf32, #tpu.memory_space<vmem>> -> memref<256x128xf32, #tpu.memory_space<vmem>>
      %dma_wait3A_118 = arith.constant 0 : i32
      %dma_wait3A_119 = tpu.memref_slice %arg11[%mul3A_29, %dma_wait3A_118] : memref<4224x128xf32, #tpu.memory_space<vmem_shared>> -> memref<256x128xf32, #tpu.memory_space<vmem_shared>>
      %dma_wait3A_120 = arith.constant 0 : i32
      %dma_wait3A_121 = arith.constant 0 : i32
      %dma_wait3A_122 = tpu.memref_slice %arg10[%dma_wait3A_120, %dma_wait3A_121] : memref<264x128xf32, #tpu.memory_space<vmem>> -> memref<256x128xf32, #tpu.memory_space<vmem>>
      %dma_wait3A_123 = arith.constant 0 : i32
      %dma_wait3A_124 = tpu.memref_slice %arg11[%mul3A_29, %dma_wait3A_123] : memref<4224x128xf32, #tpu.memory_space<vmem_shared>> -> memref<256x128xf32, #tpu.memory_space<vmem_shared>>
      tpu.wait_dma2 semaphore(%run_scoped3A : memref<!tpu.dma_semaphore, #tpu.memory_space<semaphore_mem>>) src(%dma_wait3A_124 : memref<256x128xf32, #tpu.memory_space<vmem_shared>>) dst(%dma_wait3A_122 : memref<256x128xf32, #tpu.memory_space<vmem>>)
      tpu.yield
    }) : () -> ()
    %mul3A_30 = arith.constant 256 : i32
    %mul3A_31 = arith.muli %arg1, %mul3A_30 : i32
    %add3A_32 = arith.constant 0 : i32
    %add3A_33 = arith.addi %add3A_32, %mul3A_31 : i32
    "tpu.region"() ({
      %run_scoped3A = tpu.sem_alloc : memref<!tpu.dma_semaphore, #tpu.memory_space<semaphore_mem>>
      %dma_start3A = arith.constant 0 : i32
      %dma_start3A_107 = arith.constant 0 : i32
      %dma_start3A_108 = tpu.memref_slice %arg10[%dma_start3A, %dma_start3A_107] : memref<264x128xf32, #tpu.memory_space<vmem>> -> memref<256x128xf32, #tpu.memory_space<vmem>>
      %dma_start3A_109 = arith.constant 0 : i32
      %dma_start3A_110 = tpu.memref_slice %arg5[%arg0, %add3A_33, %dma_start3A_109] : memref<2x12288x128xf32, #tpu.memory_space<hbm>> -> memref<1x256x128xf32, #tpu.memory_space<hbm>>
      %dma_start3A_111 = tpu.memref_squeeze %dma_start3A_110 : memref<1x256x128xf32, #tpu.memory_space<hbm>> -> memref<256x128xf32, #tpu.memory_space<hbm>>
      %dma_start3A_112 = arith.constant 0 : i32
      %dma_start3A_113 = tpu.memref_slice %arg5[%arg0, %add3A_33, %dma_start3A_112] : memref<2x12288x128xf32, #tpu.memory_space<hbm>> -> memref<1x256x128xf32, #tpu.memory_space<hbm>>
      %dma_start3A_114 = tpu.memref_squeeze %dma_start3A_113 : memref<1x256x128xf32, #tpu.memory_space<hbm>> -> memref<256x128xf32, #tpu.memory_space<hbm>>
      %dma_start3A_115 = arith.constant 0 : i32
      %dma_start3A_116 = arith.constant 0 : i32
      %dma_start3A_117 = tpu.memref_slice %arg10[%dma_start3A_115, %dma_start3A_116] : memref<264x128xf32, #tpu.memory_space<vmem>> -> memref<256x128xf32, #tpu.memory_space<vmem>>
      tpu.enqueue_dma source(%dma_start3A_117 : memref<256x128xf32, #tpu.memory_space<vmem>>) target(%dma_start3A_114 : memref<256x128xf32, #tpu.memory_space<hbm>>) target_semaphore(%run_scoped3A : memref<!tpu.dma_semaphore, #tpu.memory_space<semaphore_mem>>)
      %dma_wait3A = arith.constant 0 : i32
      %dma_wait3A_118 = arith.constant 0 : i32
      %dma_wait3A_119 = tpu.memref_slice %arg10[%dma_wait3A, %dma_wait3A_118] : memref<264x128xf32, #tpu.memory_space<vmem>> -> memref<256x128xf32, #tpu.memory_space<vmem>>
      %dma_wait3A_120 = arith.constant 0 : i32
      %dma_wait3A_121 = tpu.memref_slice %arg5[%arg0, %add3A_33, %dma_wait3A_120] : memref<2x12288x128xf32, #tpu.memory_space<hbm>> -> memref<1x256x128xf32, #tpu.memory_space<hbm>>
      %dma_wait3A_122 = tpu.memref_squeeze %dma_wait3A_121 : memref<1x256x128xf32, #tpu.memory_space<hbm>> -> memref<256x128xf32, #tpu.memory_space<hbm>>
      %dma_wait3A_123 = arith.constant 0 : i32
      %dma_wait3A_124 = tpu.memref_slice %arg5[%arg0, %add3A_33, %dma_wait3A_123] : memref<2x12288x128xf32, #tpu.memory_space<hbm>> -> memref<1x256x128xf32, #tpu.memory_space<hbm>>
      %dma_wait3A_125 = tpu.memref_squeeze %dma_wait3A_124 : memref<1x256x128xf32, #tpu.memory_space<hbm>> -> memref<256x128xf32, #tpu.memory_space<hbm>>
      %dma_wait3A_126 = arith.constant 0 : i32
      %dma_wait3A_127 = arith.constant 0 : i32
      %dma_wait3A_128 = tpu.memref_slice %arg10[%dma_wait3A_126, %dma_wait3A_127] : memref<264x128xf32, #tpu.memory_space<vmem>> -> memref<256x128xf32, #tpu.memory_space<vmem>>
      tpu.wait_dma2 semaphore(%run_scoped3A : memref<!tpu.dma_semaphore, #tpu.memory_space<semaphore_mem>>) src(%dma_wait3A_128 : memref<256x128xf32, #tpu.memory_space<vmem>>) dst(%dma_wait3A_125 : memref<256x128xf32, #tpu.memory_space<hbm>>)
      tpu.yield
    }) : () -> ()
    %barrier3A_34 = arith.constant 0 : index
    tpu.barrier barrier_id(%barrier3A_34)
    %scan3A_35 = arith.constant 0 : i32
    %scan3A_36 = arith.constant 0 : i32
    %scan3A_37 = arith.constant 264 : i32
    %scan3A_38 = arith.addi %scan3A_36, %scan3A_37 : i32
    %scan3A_39 = arith.constant 1 : i32
    %scan3A_40 = scf.for %scan3A_107 = %scan3A_36 to %scan3A_38 step %scan3A_39 iter_args(%scan3A_108 = %scan3A_35) -> (i32)  : i32 {
      %broadcast_in_dim3A = arith.constant 0.000000e+00 : f32
      %broadcast_in_dim3A_109 = vector.broadcast %broadcast_in_dim3A : f32 to vector<16xf32>
      %swap3A = arith.index_cast %scan3A_107 : i32 to index
      %swap3A_110 = arith.constant 0 : index
      %swap3A_111 = tpu.vector_load %arg10[%swap3A, %swap3A_110] {strides = array<i32>} : memref<264x128xf32, #tpu.memory_space<vmem>>, vector<1x16xf32>,
      %swap3A_112 = vector.shape_cast %swap3A_111 : vector<1x16xf32> to vector<16xf32>
      %swap3A_113 = vector.shape_cast %broadcast_in_dim3A_109 : vector<16xf32> to vector<1x16xf32>
      tpu.vector_store %arg10[%swap3A, %swap3A_110], %swap3A_113 {strides = array<i32>} : memref<264x128xf32, #tpu.memory_space<vmem>>, vector<1x16xf32>,
      %broadcast_in_dim3A_114 = arith.constant 0.000000e+00 : f32
      %broadcast_in_dim3A_115 = vector.broadcast %broadcast_in_dim3A_114 : f32 to vector<16xf32>
      %swap3A_116 = arith.index_cast %scan3A_107 : i32 to index
      %swap3A_117 = arith.constant 16 : index
      %swap3A_118 = tpu.vector_load %arg10[%swap3A_116, %swap3A_117] {strides = array<i32>} : memref<264x128xf32, #tpu.memory_space<vmem>>, vector<1x16xf32>,
      %swap3A_119 = vector.shape_cast %swap3A_118 : vector<1x16xf32> to vector<16xf32>
      %swap3A_120 = vector.shape_cast %broadcast_in_dim3A_115 : vector<16xf32> to vector<1x16xf32>
      tpu.vector_store %arg10[%swap3A_116, %swap3A_117], %swap3A_120 {strides = array<i32>} : memref<264x128xf32, #tpu.memory_space<vmem>>, vector<1x16xf32>,
      %broadcast_in_dim3A_121 = arith.constant 0.000000e+00 : f32
      %broadcast_in_dim3A_122 = vector.broadcast %broadcast_in_dim3A_121 : f32 to vector<16xf32>
      %swap3A_123 = arith.index_cast %scan3A_107 : i32 to index
      %swap3A_124 = arith.constant 32 : index
      %swap3A_125 = tpu.vector_load %arg10[%swap3A_123, %swap3A_124] {strides = array<i32>} : memref<264x128xf32, #tpu.memory_space<vmem>>, vector<1x16xf32>,
      %swap3A_126 = vector.shape_cast %swap3A_125 : vector<1x16xf32> to vector<16xf32>
      %swap3A_127 = vector.shape_cast %broadcast_in_dim3A_122 : vector<16xf32> to vector<1x16xf32>
      tpu.vector_store %arg10[%swap3A_123, %swap3A_124], %swap3A_127 {strides = array<i32>} : memref<264x128xf32, #tpu.memory_space<vmem>>, vector<1x16xf32>,
      %broadcast_in_dim3A_128 = arith.constant 0.000000e+00 : f32
      %broadcast_in_dim3A_129 = vector.broadcast %broadcast_in_dim3A_128 : f32 to vector<16xf32>
      %swap3A_130 = arith.index_cast %scan3A_107 : i32 to index
      %swap3A_131 = arith.constant 48 : index
      %swap3A_132 = tpu.vector_load %arg10[%swap3A_130, %swap3A_131] {strides = array<i32>} : memref<264x128xf32, #tpu.memory_space<vmem>>, vector<1x16xf32>,
      %swap3A_133 = vector.shape_cast %swap3A_132 : vector<1x16xf32> to vector<16xf32>
      %swap3A_134 = vector.shape_cast %broadcast_in_dim3A_129 : vector<16xf32> to vector<1x16xf32>
      tpu.vector_store %arg10[%swap3A_130, %swap3A_131], %swap3A_134 {strides = array<i32>} : memref<264x128xf32, #tpu.memory_space<vmem>>, vector<1x16xf32>,
      %broadcast_in_dim3A_135 = arith.constant 0.000000e+00 : f32
      %broadcast_in_dim3A_136 = vector.broadcast %broadcast_in_dim3A_135 : f32 to vector<16xf32>
      %swap3A_137 = arith.index_cast %scan3A_107 : i32 to index
      %swap3A_138 = arith.constant 64 : index
      %swap3A_139 = tpu.vector_load %arg10[%swap3A_137, %swap3A_138] {strides = array<i32>} : memref<264x128xf32, #tpu.memory_space<vmem>>, vector<1x16xf32>,
      %swap3A_140 = vector.shape_cast %swap3A_139 : vector<1x16xf32> to vector<16xf32>
      %swap3A_141 = vector.shape_cast %broadcast_in_dim3A_136 : vector<16xf32> to vector<1x16xf32>
      tpu.vector_store %arg10[%swap3A_137, %swap3A_138], %swap3A_141 {strides = array<i32>} : memref<264x128xf32, #tpu.memory_space<vmem>>, vector<1x16xf32>,
      %broadcast_in_dim3A_142 = arith.constant 0.000000e+00 : f32
      %broadcast_in_dim3A_143 = vector.broadcast %broadcast_in_dim3A_142 : f32 to vector<16xf32>
      %swap3A_144 = arith.index_cast %scan3A_107 : i32 to index
      %swap3A_145 = arith.constant 80 : index
      %swap3A_146 = tpu.vector_load %arg10[%swap3A_144, %swap3A_145] {strides = array<i32>} : memref<264x128xf32, #tpu.memory_space<vmem>>, vector<1x16xf32>,
      %swap3A_147 = vector.shape_cast %swap3A_146 : vector<1x16xf32> to vector<16xf32>
      %swap3A_148 = vector.shape_cast %broadcast_in_dim3A_143 : vector<16xf32> to vector<1x16xf32>
      tpu.vector_store %arg10[%swap3A_144, %swap3A_145], %swap3A_148 {strides = array<i32>} : memref<264x128xf32, #tpu.memory_space<vmem>>, vector<1x16xf32>,
      %broadcast_in_dim3A_149 = arith.constant 0.000000e+00 : f32
      %broadcast_in_dim3A_150 = vector.broadcast %broadcast_in_dim3A_149 : f32 to vector<16xf32>
      %swap3A_151 = arith.index_cast %scan3A_107 : i32 to index
      %swap3A_152 = arith.constant 96 : index
      %swap3A_153 = tpu.vector_load %arg10[%swap3A_151, %swap3A_152] {strides = array<i32>} : memref<264x128xf32, #tpu.memory_space<vmem>>, vector<1x16xf32>,
      %swap3A_154 = vector.shape_cast %swap3A_153 : vector<1x16xf32> to vector<16xf32>
      %swap3A_155 = vector.shape_cast %broadcast_in_dim3A_150 : vector<16xf32> to vector<1x16xf32>
      tpu.vector_store %arg10[%swap3A_151, %swap3A_152], %swap3A_155 {strides = array<i32>} : memref<264x128xf32, #tpu.memory_space<vmem>>, vector<1x16xf32>,
      %broadcast_in_dim3A_156 = arith.constant 0.000000e+00 : f32
      %broadcast_in_dim3A_157 = vector.broadcast %broadcast_in_dim3A_156 : f32 to vector<16xf32>
      %swap3A_158 = arith.index_cast %scan3A_107 : i32 to index
      %swap3A_159 = arith.constant 112 : index
      %swap3A_160 = tpu.vector_load %arg10[%swap3A_158, %swap3A_159] {strides = array<i32>} : memref<264x128xf32, #tpu.memory_space<vmem>>, vector<1x16xf32>,
      %swap3A_161 = vector.shape_cast %swap3A_160 : vector<1x16xf32> to vector<16xf32>
      %swap3A_162 = vector.shape_cast %broadcast_in_dim3A_157 : vector<16xf32> to vector<1x16xf32>
      tpu.vector_store %arg10[%swap3A_158, %swap3A_159], %swap3A_162 {strides = array<i32>} : memref<264x128xf32, #tpu.memory_space<vmem>>, vector<1x16xf32>,
      %scan3A_163 = arith.constant 0 : i32
      scf.yield %scan3A_163 : i32
    }
    %scan3A_41 = arith.constant 264 : i32
    %mul3A_42 = arith.constant 264 : i32
    %mul3A_43 = arith.muli %arg1, %mul3A_42 : i32
    "tpu.region"() ({
      %run_scoped3A = tpu.sem_alloc : memref<!tpu.dma_semaphore, #tpu.memory_space<semaphore_mem>>
      %dma_start3A = arith.constant 0 : i32
      %dma_start3A_107 = tpu.memref_slice %arg11[%mul3A_43, %dma_start3A] : memref<4224x128xf32, #tpu.memory_space<vmem_shared>> -> memref<264x128xf32, #tpu.memory_space<vmem_shared>>
      %dma_start3A_108 = arith.constant 0 : i32
      %dma_start3A_109 = tpu.memref_slice %arg11[%mul3A_43, %dma_start3A_108] : memref<4224x128xf32, #tpu.memory_space<vmem_shared>> -> memref<264x128xf32, #tpu.memory_space<vmem_shared>>
      tpu.enqueue_dma source(%arg10 : memref<264x128xf32, #tpu.memory_space<vmem>>) target(%dma_start3A_109 : memref<264x128xf32, #tpu.memory_space<vmem_shared>>) target_semaphore(%run_scoped3A : memref<!tpu.dma_semaphore, #tpu.memory_space<semaphore_mem>>)
      %dma_wait3A = arith.constant 0 : i32
      %dma_wait3A_110 = tpu.memref_slice %arg11[%mul3A_43, %dma_wait3A] : memref<4224x128xf32, #tpu.memory_space<vmem_shared>> -> memref<264x128xf32, #tpu.memory_space<vmem_shared>>
      %dma_wait3A_111 = arith.constant 0 : i32
      %dma_wait3A_112 = tpu.memref_slice %arg11[%mul3A_43, %dma_wait3A_111] : memref<4224x128xf32, #tpu.memory_space<vmem_shared>> -> memref<264x128xf32, #tpu.memory_space<vmem_shared>>
      tpu.wait_dma2 semaphore(%run_scoped3A : memref<!tpu.dma_semaphore, #tpu.memory_space<semaphore_mem>>) src(%arg10 : memref<264x128xf32, #tpu.memory_space<vmem>>) dst(%dma_wait3A_112 : memref<264x128xf32, #tpu.memory_space<vmem_shared>>)
      tpu.yield
    }) : () -> ()
    %scan3A_44 = arith.constant 4096 : i32
    %scan3A_45 = arith.constant 8192 : i32
    %scan3A_46 = arith.constant 127 : i32
    %scan3A_47 = arith.constant 4096 : i32
    %scan3A_48 = arith.constant 0 : i32
    %scan3A_49 = arith.constant 0 : i32
    %scan3A_50 = arith.constant 125 : i32
    %scan3A_51 = arith.addi %scan3A_49, %scan3A_50 : i32
    %scan3A_52 = arith.constant 1 : i32
    %scan3A_53 = scf.for %scan3A_107 = %scan3A_49 to %scan3A_51 step %scan3A_52 iter_args(%scan3A_108 = %scan3A_48) -> (i32)  : i32 {
      %get3A = arith.index_cast %scan3A_107 : i32 to index
      %get3A_109 = arith.constant 0 : index
      %get3A_110 = tpu.vector_load %arg7[%get3A, %get3A_109] {strides = array<i32>} : memref<125x80xi32, #tpu.memory_space<vmem>>, vector<1x16xi32>,
      %get3A_111 = vector.shape_cast %get3A_110 : vector<1x16xi32> to vector<16xi32>
      %ge3A = vector.broadcast %scan3A_44 : i32 to vector<16xi32>
      %ge3A_112 = arith.cmpi sge, %get3A_111, %ge3A : vector<16xi32>
      %lt3A = vector.broadcast %scan3A_45 : i32 to vector<16xi32>
      %lt3A_113 = arith.cmpi slt, %get3A_111, %lt3A : vector<16xi32>
      %and3A = arith.andi %ge3A_112, %lt3A_113 : vector<16xi1>
      %sub3A = vector.broadcast %scan3A_44 : i32 to vector<16xi32>
      %sub3A_114 = arith.subi %get3A_111, %sub3A : vector<16xi32>
      %and3A_115 = vector.broadcast %scan3A_46 : i32 to vector<16xi32>
      %and3A_116 = arith.andi %get3A_111, %and3A_115 : vector<16xi32>
      %add3A_117 = vector.broadcast %scan3A_47 : i32 to vector<16xi32>
      %add3A_118 = arith.addi %add3A_117, %and3A_116 : vector<16xi32>
      %select_n3A = arith.select %and3A, %sub3A_114, %add3A_118 : vector<16xi1>, vector<16xi32>
      %swap3A = arith.index_cast %scan3A_107 : i32 to index
      %swap3A_119 = arith.constant 0 : index
      %swap3A_120 = tpu.vector_load %arg8[%swap3A, %swap3A_119] {strides = array<i32>} : memref<125x80xi32, #tpu.memory_space<vmem>>, vector<1x16xi32>,
      %swap3A_121 = vector.shape_cast %swap3A_120 : vector<1x16xi32> to vector<16xi32>
      %swap3A_122 = vector.shape_cast %select_n3A : vector<16xi32> to vector<1x16xi32>
      tpu.vector_store %arg8[%swap3A, %swap3A_119], %swap3A_122 {strides = array<i32>} : memref<125x80xi32, #tpu.memory_space<vmem>>, vector<1x16xi32>,
      %get3A_123 = arith.index_cast %scan3A_107 : i32 to index
      %get3A_124 = arith.constant 16 : index
      %get3A_125 = tpu.vector_load %arg7[%get3A_123, %get3A_124] {strides = array<i32>} : memref<125x80xi32, #tpu.memory_space<vmem>>, vector<1x16xi32>,
      %get3A_126 = vector.shape_cast %get3A_125 : vector<1x16xi32> to vector<16xi32>
      %ge3A_127 = vector.broadcast %scan3A_44 : i32 to vector<16xi32>
      %ge3A_128 = arith.cmpi sge, %get3A_126, %ge3A_127 : vector<16xi32>
      %lt3A_129 = vector.broadcast %scan3A_45 : i32 to vector<16xi32>
      %lt3A_130 = arith.cmpi slt, %get3A_126, %lt3A_129 : vector<16xi32>
      %and3A_131 = arith.andi %ge3A_128, %lt3A_130 : vector<16xi1>
      %sub3A_132 = vector.broadcast %scan3A_44 : i32 to vector<16xi32>
      %sub3A_133 = arith.subi %get3A_126, %sub3A_132 : vector<16xi32>
      %and3A_134 = vector.broadcast %scan3A_46 : i32 to vector<16xi32>
      %and3A_135 = arith.andi %get3A_126, %and3A_134 : vector<16xi32>
      %add3A_136 = vector.broadcast %scan3A_47 : i32 to vector<16xi32>
      %add3A_137 = arith.addi %add3A_136, %and3A_135 : vector<16xi32>
      %select_n3A_138 = arith.select %and3A_131, %sub3A_133, %add3A_137 : vector<16xi1>, vector<16xi32>
      %swap3A_139 = arith.index_cast %scan3A_107 : i32 to index
      %swap3A_140 = arith.constant 16 : index
      %swap3A_141 = tpu.vector_load %arg8[%swap3A_139, %swap3A_140] {strides = array<i32>} : memref<125x80xi32, #tpu.memory_space<vmem>>, vector<1x16xi32>,
      %swap3A_142 = vector.shape_cast %swap3A_141 : vector<1x16xi32> to vector<16xi32>
      %swap3A_143 = vector.shape_cast %select_n3A_138 : vector<16xi32> to vector<1x16xi32>
      tpu.vector_store %arg8[%swap3A_139, %swap3A_140], %swap3A_143 {strides = array<i32>} : memref<125x80xi32, #tpu.memory_space<vmem>>, vector<1x16xi32>,
      %get3A_144 = arith.index_cast %scan3A_107 : i32 to index
      %get3A_145 = arith.constant 32 : index
      %get3A_146 = tpu.vector_load %arg7[%get3A_144, %get3A_145] {strides = array<i32>} : memref<125x80xi32, #tpu.memory_space<vmem>>, vector<1x16xi32>,
      %get3A_147 = vector.shape_cast %get3A_146 : vector<1x16xi32> to vector<16xi32>
      %ge3A_148 = vector.broadcast %scan3A_44 : i32 to vector<16xi32>
      %ge3A_149 = arith.cmpi sge, %get3A_147, %ge3A_148 : vector<16xi32>
      %lt3A_150 = vector.broadcast %scan3A_45 : i32 to vector<16xi32>
      %lt3A_151 = arith.cmpi slt, %get3A_147, %lt3A_150 : vector<16xi32>
      %and3A_152 = arith.andi %ge3A_149, %lt3A_151 : vector<16xi1>
      %sub3A_153 = vector.broadcast %scan3A_44 : i32 to vector<16xi32>
      %sub3A_154 = arith.subi %get3A_147, %sub3A_153 : vector<16xi32>
      %and3A_155 = vector.broadcast %scan3A_46 : i32 to vector<16xi32>
      %and3A_156 = arith.andi %get3A_147, %and3A_155 : vector<16xi32>
      %add3A_157 = vector.broadcast %scan3A_47 : i32 to vector<16xi32>
      %add3A_158 = arith.addi %add3A_157, %and3A_156 : vector<16xi32>
      %select_n3A_159 = arith.select %and3A_152, %sub3A_154, %add3A_158 : vector<16xi1>, vector<16xi32>
      %swap3A_160 = arith.index_cast %scan3A_107 : i32 to index
      %swap3A_161 = arith.constant 32 : index
      %swap3A_162 = tpu.vector_load %arg8[%swap3A_160, %swap3A_161] {strides = array<i32>} : memref<125x80xi32, #tpu.memory_space<vmem>>, vector<1x16xi32>,
      %swap3A_163 = vector.shape_cast %swap3A_162 : vector<1x16xi32> to vector<16xi32>
      %swap3A_164 = vector.shape_cast %select_n3A_159 : vector<16xi32> to vector<1x16xi32>
      tpu.vector_store %arg8[%swap3A_160, %swap3A_161], %swap3A_164 {strides = array<i32>} : memref<125x80xi32, #tpu.memory_space<vmem>>, vector<1x16xi32>,
      %get3A_165 = arith.index_cast %scan3A_107 : i32 to index
      %get3A_166 = arith.constant 48 : index
      %get3A_167 = tpu.vector_load %arg7[%get3A_165, %get3A_166] {strides = array<i32>} : memref<125x80xi32, #tpu.memory_space<vmem>>, vector<1x16xi32>,
      %get3A_168 = vector.shape_cast %get3A_167 : vector<1x16xi32> to vector<16xi32>
      %ge3A_169 = vector.broadcast %scan3A_44 : i32 to vector<16xi32>
      %ge3A_170 = arith.cmpi sge, %get3A_168, %ge3A_169 : vector<16xi32>
      %lt3A_171 = vector.broadcast %scan3A_45 : i32 to vector<16xi32>
      %lt3A_172 = arith.cmpi slt, %get3A_168, %lt3A_171 : vector<16xi32>
      %and3A_173 = arith.andi %ge3A_170, %lt3A_172 : vector<16xi1>
      %sub3A_174 = vector.broadcast %scan3A_44 : i32 to vector<16xi32>
      %sub3A_175 = arith.subi %get3A_168, %sub3A_174 : vector<16xi32>
      %and3A_176 = vector.broadcast %scan3A_46 : i32 to vector<16xi32>
      %and3A_177 = arith.andi %get3A_168, %and3A_176 : vector<16xi32>
      %add3A_178 = vector.broadcast %scan3A_47 : i32 to vector<16xi32>
      %add3A_179 = arith.addi %add3A_178, %and3A_177 : vector<16xi32>
      %select_n3A_180 = arith.select %and3A_173, %sub3A_175, %add3A_179 : vector<16xi1>, vector<16xi32>
      %swap3A_181 = arith.index_cast %scan3A_107 : i32 to index
      %swap3A_182 = arith.constant 48 : index
      %swap3A_183 = tpu.vector_load %arg8[%swap3A_181, %swap3A_182] {strides = array<i32>} : memref<125x80xi32, #tpu.memory_space<vmem>>, vector<1x16xi32>,
      %swap3A_184 = vector.shape_cast %swap3A_183 : vector<1x16xi32> to vector<16xi32>
      %swap3A_185 = vector.shape_cast %select_n3A_180 : vector<16xi32> to vector<1x16xi32>
      tpu.vector_store %arg8[%swap3A_181, %swap3A_182], %swap3A_185 {strides = array<i32>} : memref<125x80xi32, #tpu.memory_space<vmem>>, vector<1x16xi32>,
      %get3A_186 = arith.index_cast %scan3A_107 : i32 to index
      %get3A_187 = arith.constant 64 : index
      %get3A_188 = tpu.vector_load %arg7[%get3A_186, %get3A_187] {strides = array<i32>} : memref<125x80xi32, #tpu.memory_space<vmem>>, vector<1x16xi32>,
      %get3A_189 = vector.shape_cast %get3A_188 : vector<1x16xi32> to vector<16xi32>
      %ge3A_190 = vector.broadcast %scan3A_44 : i32 to vector<16xi32>
      %ge3A_191 = arith.cmpi sge, %get3A_189, %ge3A_190 : vector<16xi32>
      %lt3A_192 = vector.broadcast %scan3A_45 : i32 to vector<16xi32>
      %lt3A_193 = arith.cmpi slt, %get3A_189, %lt3A_192 : vector<16xi32>
      %and3A_194 = arith.andi %ge3A_191, %lt3A_193 : vector<16xi1>
      %sub3A_195 = vector.broadcast %scan3A_44 : i32 to vector<16xi32>
      %sub3A_196 = arith.subi %get3A_189, %sub3A_195 : vector<16xi32>
      %and3A_197 = vector.broadcast %scan3A_46 : i32 to vector<16xi32>
      %and3A_198 = arith.andi %get3A_189, %and3A_197 : vector<16xi32>
      %add3A_199 = vector.broadcast %scan3A_47 : i32 to vector<16xi32>
      %add3A_200 = arith.addi %add3A_199, %and3A_198 : vector<16xi32>
      %select_n3A_201 = arith.select %and3A_194, %sub3A_196, %add3A_200 : vector<16xi1>, vector<16xi32>
      %swap3A_202 = arith.index_cast %scan3A_107 : i32 to index
      %swap3A_203 = arith.constant 64 : index
      %swap3A_204 = tpu.vector_load %arg8[%swap3A_202, %swap3A_203] {strides = array<i32>} : memref<125x80xi32, #tpu.memory_space<vmem>>, vector<1x16xi32>,
      %swap3A_205 = vector.shape_cast %swap3A_204 : vector<1x16xi32> to vector<16xi32>
      %swap3A_206 = vector.shape_cast %select_n3A_201 : vector<16xi32> to vector<1x16xi32>
      tpu.vector_store %arg8[%swap3A_202, %swap3A_203], %swap3A_206 {strides = array<i32>} : memref<125x80xi32, #tpu.memory_space<vmem>>, vector<1x16xi32>,
      %scan3A_207 = arith.constant 0 : i32
      scf.yield %scan3A_207 : i32
    }
    %scan3A_54 = arith.constant 125 : i32
    %barrier3A_55 = arith.constant 0 : index
    tpu.barrier barrier_id(%barrier3A_55)
    %scan3A_56 = arith.constant 0 : i32
    %scan3A_57 = arith.constant 0 : i32
    %scan3A_58 = arith.constant 125 : i32
    %scan3A_59 = arith.addi %scan3A_57, %scan3A_58 : i32
    %scan3A_60 = arith.constant 1 : i32
    %scan3A_61 = scf.for %scan3A_107 = %scan3A_57 to %scan3A_59 step %scan3A_60 iter_args(%scan3A_108 = %scan3A_56) -> (i32)  : i32 {
      %dma_start3A = arith.constant 0 : i32
      %dma_start3A_109 = tpu.memref_slice %arg6[%scan3A_107, %dma_start3A] : memref<125x80xi32, #tpu.memory_space<vmem>> -> memref<1x80xi32, #tpu.memory_space<vmem>>
      %dma_start3A_110 = tpu.memref_squeeze %dma_start3A_109 : memref<1x80xi32, #tpu.memory_space<vmem>> -> memref<80xi32, #tpu.memory_space<vmem>>
      %dma_start3A_111 = arith.constant 0 : i32
      %dma_start3A_112 = arith.constant 0 : i32
      %dma_start3A_113 = tpu.memref_slice %arg2[%dma_start3A_111, %dma_start3A_112] : memref<10000x128xf32, #tpu.memory_space<hbm>> -> memref<10000x128xf32, #tpu.memory_space<hbm>>
      tpu.enqueue_indirect_dma source(%dma_start3A_113 : memref<10000x128xf32, #tpu.memory_space<hbm>>) target(%arg9 : memref<80x128xf32, #tpu.memory_space<vmem>>) offsets(%dma_start3A_110 : memref<80xi32, #tpu.memory_space<vmem>>) semaphore(%arg12 : memref<!tpu.dma_semaphore, #tpu.memory_space<semaphore_mem>>)
      %dma_wait3A = arith.constant 0 : i32
      %dma_wait3A_114 = tpu.memref_slice %arg6[%scan3A_107, %dma_wait3A] : memref<125x80xi32, #tpu.memory_space<vmem>> -> memref<1x80xi32, #tpu.memory_space<vmem>>
      %dma_wait3A_115 = tpu.memref_squeeze %dma_wait3A_114 : memref<1x80xi32, #tpu.memory_space<vmem>> -> memref<80xi32, #tpu.memory_space<vmem>>
      %dma_wait3A_116 = arith.constant 0 : i32
      %dma_wait3A_117 = arith.constant 0 : i32
      %dma_wait3A_118 = tpu.memref_slice %arg2[%dma_wait3A_116, %dma_wait3A_117] : memref<10000x128xf32, #tpu.memory_space<hbm>> -> memref<10000x128xf32, #tpu.memory_space<hbm>>
      tpu.wait_indirect_dma semaphore(%arg12 : memref<!tpu.dma_semaphore, #tpu.memory_space<semaphore_mem>>) src(%dma_wait3A_118 : memref<10000x128xf32, #tpu.memory_space<hbm>>) dst(%arg9 : memref<80x128xf32, #tpu.memory_space<vmem>>)
      %dma_start3A_119 = arith.constant 0 : i32
      %dma_start3A_120 = tpu.memref_slice %arg8[%scan3A_107, %dma_start3A_119] : memref<125x80xi32, #tpu.memory_space<vmem>> -> memref<1x80xi32, #tpu.memory_space<vmem>>
      %dma_start3A_121 = tpu.memref_squeeze %dma_start3A_120 : memref<1x80xi32, #tpu.memory_space<vmem>> -> memref<80xi32, #tpu.memory_space<vmem>>
      %dma_start3A_122 = arith.constant 0 : i32
      %dma_start3A_123 = arith.constant 0 : i32
      %dma_start3A_124 = tpu.memref_slice %arg11[%dma_start3A_122, %dma_start3A_123] : memref<4224x128xf32, #tpu.memory_space<vmem_shared>> -> memref<4224x128xf32, #tpu.memory_space<vmem_shared>>
      tpu.enqueue_indirect_dma source(%arg9 : memref<80x128xf32, #tpu.memory_space<vmem>>) target(%dma_start3A_124 : memref<4224x128xf32, #tpu.memory_space<vmem_shared>>) offsets(%dma_start3A_121 : memref<80xi32, #tpu.memory_space<vmem>>) semaphore(%arg13 : memref<!tpu.dma_semaphore, #tpu.memory_space<semaphore_mem>>) {add = true}
      %dma_wait3A_125 = arith.constant 0 : i32
      %dma_wait3A_126 = tpu.memref_slice %arg8[%scan3A_107, %dma_wait3A_125] : memref<125x80xi32, #tpu.memory_space<vmem>> -> memref<1x80xi32, #tpu.memory_space<vmem>>
      %dma_wait3A_127 = tpu.memref_squeeze %dma_wait3A_126 : memref<1x80xi32, #tpu.memory_space<vmem>> -> memref<80xi32, #tpu.memory_space<vmem>>
      %dma_wait3A_128 = arith.constant 0 : i32
      %dma_wait3A_129 = arith.constant 0 : i32
      %dma_wait3A_130 = tpu.memref_slice %arg11[%dma_wait3A_128, %dma_wait3A_129] : memref<4224x128xf32, #tpu.memory_space<vmem_shared>> -> memref<4224x128xf32, #tpu.memory_space<vmem_shared>>
      tpu.wait_indirect_dma semaphore(%arg13 : memref<!tpu.dma_semaphore, #tpu.memory_space<semaphore_mem>>) src(%arg9 : memref<80x128xf32, #tpu.memory_space<vmem>>) dst(%dma_wait3A_130 : memref<4224x128xf32, #tpu.memory_space<vmem_shared>>)
      %scan3A_131 = arith.constant 0 : i32
      scf.yield %scan3A_131 : i32
    }
    %scan3A_62 = arith.constant 125 : i32
    %barrier3A_63 = arith.constant 0 : index
    tpu.barrier barrier_id(%barrier3A_63)
    %mul3A_64 = arith.constant 256 : i32
    %mul3A_65 = arith.muli %arg1, %mul3A_64 : i32
    "tpu.region"() ({
      %run_scoped3A = tpu.sem_alloc : memref<!tpu.dma_semaphore, #tpu.memory_space<semaphore_mem>>
      %dma_start3A = arith.constant 0 : i32
      %dma_start3A_107 = arith.constant 0 : i32
      %dma_start3A_108 = tpu.memref_slice %arg10[%dma_start3A, %dma_start3A_107] : memref<264x128xf32, #tpu.memory_space<vmem>> -> memref<256x128xf32, #tpu.memory_space<vmem>>
      %dma_start3A_109 = arith.constant 0 : i32
      %dma_start3A_110 = tpu.memref_slice %arg11[%mul3A_65, %dma_start3A_109] : memref<4224x128xf32, #tpu.memory_space<vmem_shared>> -> memref<256x128xf32, #tpu.memory_space<vmem_shared>>
      %dma_start3A_111 = arith.constant 0 : i32
      %dma_start3A_112 = arith.constant 0 : i32
      %dma_start3A_113 = tpu.memref_slice %arg10[%dma_start3A_111, %dma_start3A_112] : memref<264x128xf32, #tpu.memory_space<vmem>> -> memref<256x128xf32, #tpu.memory_space<vmem>>
      %dma_start3A_114 = arith.constant 0 : i32
      %dma_start3A_115 = tpu.memref_slice %arg11[%mul3A_65, %dma_start3A_114] : memref<4224x128xf32, #tpu.memory_space<vmem_shared>> -> memref<256x128xf32, #tpu.memory_space<vmem_shared>>
      tpu.enqueue_dma source(%dma_start3A_115 : memref<256x128xf32, #tpu.memory_space<vmem_shared>>) target(%dma_start3A_113 : memref<256x128xf32, #tpu.memory_space<vmem>>) target_semaphore(%run_scoped3A : memref<!tpu.dma_semaphore, #tpu.memory_space<semaphore_mem>>)
      %dma_wait3A = arith.constant 0 : i32
      %dma_wait3A_116 = arith.constant 0 : i32
      %dma_wait3A_117 = tpu.memref_slice %arg10[%dma_wait3A, %dma_wait3A_116] : memref<264x128xf32, #tpu.memory_space<vmem>> -> memref<256x128xf32, #tpu.memory_space<vmem>>
      %dma_wait3A_118 = arith.constant 0 : i32
      %dma_wait3A_119 = tpu.memref_slice %arg11[%mul3A_65, %dma_wait3A_118] : memref<4224x128xf32, #tpu.memory_space<vmem_shared>> -> memref<256x128xf32, #tpu.memory_space<vmem_shared>>
      %dma_wait3A_120 = arith.constant 0 : i32
      %dma_wait3A_121 = arith.constant 0 : i32
      %dma_wait3A_122 = tpu.memref_slice %arg10[%dma_wait3A_120, %dma_wait3A_121] : memref<264x128xf32, #tpu.memory_space<vmem>> -> memref<256x128xf32, #tpu.memory_space<vmem>>
      %dma_wait3A_123 = arith.constant 0 : i32
      %dma_wait3A_124 = tpu.memref_slice %arg11[%mul3A_65, %dma_wait3A_123] : memref<4224x128xf32, #tpu.memory_space<vmem_shared>> -> memref<256x128xf32, #tpu.memory_space<vmem_shared>>
      tpu.wait_dma2 semaphore(%run_scoped3A : memref<!tpu.dma_semaphore, #tpu.memory_space<semaphore_mem>>) src(%dma_wait3A_124 : memref<256x128xf32, #tpu.memory_space<vmem_shared>>) dst(%dma_wait3A_122 : memref<256x128xf32, #tpu.memory_space<vmem>>)
      tpu.yield
    }) : () -> ()
    %mul3A_66 = arith.constant 256 : i32
    %mul3A_67 = arith.muli %arg1, %mul3A_66 : i32
    %add3A_68 = arith.constant 4096 : i32
    %add3A_69 = arith.addi %add3A_68, %mul3A_67 : i32
    "tpu.region"() ({
      %run_scoped3A = tpu.sem_alloc : memref<!tpu.dma_semaphore, #tpu.memory_space<semaphore_mem>>
      %dma_start3A = arith.constant 0 : i32
      %dma_start3A_107 = arith.constant 0 : i32
      %dma_start3A_108 = tpu.memref_slice %arg10[%dma_start3A, %dma_start3A_107] : memref<264x128xf32, #tpu.memory_space<vmem>> -> memref<256x128xf32, #tpu.memory_space<vmem>>
      %dma_start3A_109 = arith.constant 0 : i32
      %dma_start3A_110 = tpu.memref_slice %arg5[%arg0, %add3A_69, %dma_start3A_109] : memref<2x12288x128xf32, #tpu.memory_space<hbm>> -> memref<1x256x128xf32, #tpu.memory_space<hbm>>
      %dma_start3A_111 = tpu.memref_squeeze %dma_start3A_110 : memref<1x256x128xf32, #tpu.memory_space<hbm>> -> memref<256x128xf32, #tpu.memory_space<hbm>>
      %dma_start3A_112 = arith.constant 0 : i32
      %dma_start3A_113 = tpu.memref_slice %arg5[%arg0, %add3A_69, %dma_start3A_112] : memref<2x12288x128xf32, #tpu.memory_space<hbm>> -> memref<1x256x128xf32, #tpu.memory_space<hbm>>
      %dma_start3A_114 = tpu.memref_squeeze %dma_start3A_113 : memref<1x256x128xf32, #tpu.memory_space<hbm>> -> memref<256x128xf32, #tpu.memory_space<hbm>>
      %dma_start3A_115 = arith.constant 0 : i32
      %dma_start3A_116 = arith.constant 0 : i32
      %dma_start3A_117 = tpu.memref_slice %arg10[%dma_start3A_115, %dma_start3A_116] : memref<264x128xf32, #tpu.memory_space<vmem>> -> memref<256x128xf32, #tpu.memory_space<vmem>>
      tpu.enqueue_dma source(%dma_start3A_117 : memref<256x128xf32, #tpu.memory_space<vmem>>) target(%dma_start3A_114 : memref<256x128xf32, #tpu.memory_space<hbm>>) target_semaphore(%run_scoped3A : memref<!tpu.dma_semaphore, #tpu.memory_space<semaphore_mem>>)
      %dma_wait3A = arith.constant 0 : i32
      %dma_wait3A_118 = arith.constant 0 : i32
      %dma_wait3A_119 = tpu.memref_slice %arg10[%dma_wait3A, %dma_wait3A_118] : memref<264x128xf32, #tpu.memory_space<vmem>> -> memref<256x128xf32, #tpu.memory_space<vmem>>
      %dma_wait3A_120 = arith.constant 0 : i32
      %dma_wait3A_121 = tpu.memref_slice %arg5[%arg0, %add3A_69, %dma_wait3A_120] : memref<2x12288x128xf32, #tpu.memory_space<hbm>> -> memref<1x256x128xf32, #tpu.memory_space<hbm>>
      %dma_wait3A_122 = tpu.memref_squeeze %dma_wait3A_121 : memref<1x256x128xf32, #tpu.memory_space<hbm>> -> memref<256x128xf32, #tpu.memory_space<hbm>>
      %dma_wait3A_123 = arith.constant 0 : i32
      %dma_wait3A_124 = tpu.memref_slice %arg5[%arg0, %add3A_69, %dma_wait3A_123] : memref<2x12288x128xf32, #tpu.memory_space<hbm>> -> memref<1x256x128xf32, #tpu.memory_space<hbm>>
      %dma_wait3A_125 = tpu.memref_squeeze %dma_wait3A_124 : memref<1x256x128xf32, #tpu.memory_space<hbm>> -> memref<256x128xf32, #tpu.memory_space<hbm>>
      %dma_wait3A_126 = arith.constant 0 : i32
      %dma_wait3A_127 = arith.constant 0 : i32
      %dma_wait3A_128 = tpu.memref_slice %arg10[%dma_wait3A_126, %dma_wait3A_127] : memref<264x128xf32, #tpu.memory_space<vmem>> -> memref<256x128xf32, #tpu.memory_space<vmem>>
      tpu.wait_dma2 semaphore(%run_scoped3A : memref<!tpu.dma_semaphore, #tpu.memory_space<semaphore_mem>>) src(%dma_wait3A_128 : memref<256x128xf32, #tpu.memory_space<vmem>>) dst(%dma_wait3A_125 : memref<256x128xf32, #tpu.memory_space<hbm>>)
      tpu.yield
    }) : () -> ()
    %barrier3A_70 = arith.constant 0 : index
    tpu.barrier barrier_id(%barrier3A_70)
    %scan3A_71 = arith.constant 0 : i32
    %scan3A_72 = arith.constant 0 : i32
    %scan3A_73 = arith.constant 264 : i32
    %scan3A_74 = arith.addi %scan3A_72, %scan3A_73 : i32
    %scan3A_75 = arith.constant 1 : i32
    %scan3A_76 = scf.for %scan3A_107 = %scan3A_72 to %scan3A_74 step %scan3A_75 iter_args(%scan3A_108 = %scan3A_71) -> (i32)  : i32 {
      %broadcast_in_dim3A = arith.constant 0.000000e+00 : f32
      %broadcast_in_dim3A_109 = vector.broadcast %broadcast_in_dim3A : f32 to vector<16xf32>
      %swap3A = arith.index_cast %scan3A_107 : i32 to index
      %swap3A_110 = arith.constant 0 : index
      %swap3A_111 = tpu.vector_load %arg10[%swap3A, %swap3A_110] {strides = array<i32>} : memref<264x128xf32, #tpu.memory_space<vmem>>, vector<1x16xf32>,
      %swap3A_112 = vector.shape_cast %swap3A_111 : vector<1x16xf32> to vector<16xf32>
      %swap3A_113 = vector.shape_cast %broadcast_in_dim3A_109 : vector<16xf32> to vector<1x16xf32>
      tpu.vector_store %arg10[%swap3A, %swap3A_110], %swap3A_113 {strides = array<i32>} : memref<264x128xf32, #tpu.memory_space<vmem>>, vector<1x16xf32>,
      %broadcast_in_dim3A_114 = arith.constant 0.000000e+00 : f32
      %broadcast_in_dim3A_115 = vector.broadcast %broadcast_in_dim3A_114 : f32 to vector<16xf32>
      %swap3A_116 = arith.index_cast %scan3A_107 : i32 to index
      %swap3A_117 = arith.constant 16 : index
      %swap3A_118 = tpu.vector_load %arg10[%swap3A_116, %swap3A_117] {strides = array<i32>} : memref<264x128xf32, #tpu.memory_space<vmem>>, vector<1x16xf32>,
      %swap3A_119 = vector.shape_cast %swap3A_118 : vector<1x16xf32> to vector<16xf32>
      %swap3A_120 = vector.shape_cast %broadcast_in_dim3A_115 : vector<16xf32> to vector<1x16xf32>
      tpu.vector_store %arg10[%swap3A_116, %swap3A_117], %swap3A_120 {strides = array<i32>} : memref<264x128xf32, #tpu.memory_space<vmem>>, vector<1x16xf32>,
      %broadcast_in_dim3A_121 = arith.constant 0.000000e+00 : f32
      %broadcast_in_dim3A_122 = vector.broadcast %broadcast_in_dim3A_121 : f32 to vector<16xf32>
      %swap3A_123 = arith.index_cast %scan3A_107 : i32 to index
      %swap3A_124 = arith.constant 32 : index
      %swap3A_125 = tpu.vector_load %arg10[%swap3A_123, %swap3A_124] {strides = array<i32>} : memref<264x128xf32, #tpu.memory_space<vmem>>, vector<1x16xf32>,
      %swap3A_126 = vector.shape_cast %swap3A_125 : vector<1x16xf32> to vector<16xf32>
      %swap3A_127 = vector.shape_cast %broadcast_in_dim3A_122 : vector<16xf32> to vector<1x16xf32>
      tpu.vector_store %arg10[%swap3A_123, %swap3A_124], %swap3A_127 {strides = array<i32>} : memref<264x128xf32, #tpu.memory_space<vmem>>, vector<1x16xf32>,
      %broadcast_in_dim3A_128 = arith.constant 0.000000e+00 : f32
      %broadcast_in_dim3A_129 = vector.broadcast %broadcast_in_dim3A_128 : f32 to vector<16xf32>
      %swap3A_130 = arith.index_cast %scan3A_107 : i32 to index
      %swap3A_131 = arith.constant 48 : index
      %swap3A_132 = tpu.vector_load %arg10[%swap3A_130, %swap3A_131] {strides = array<i32>} : memref<264x128xf32, #tpu.memory_space<vmem>>, vector<1x16xf32>,
      %swap3A_133 = vector.shape_cast %swap3A_132 : vector<1x16xf32> to vector<16xf32>
      %swap3A_134 = vector.shape_cast %broadcast_in_dim3A_129 : vector<16xf32> to vector<1x16xf32>
      tpu.vector_store %arg10[%swap3A_130, %swap3A_131], %swap3A_134 {strides = array<i32>} : memref<264x128xf32, #tpu.memory_space<vmem>>, vector<1x16xf32>,
      %broadcast_in_dim3A_135 = arith.constant 0.000000e+00 : f32
      %broadcast_in_dim3A_136 = vector.broadcast %broadcast_in_dim3A_135 : f32 to vector<16xf32>
      %swap3A_137 = arith.index_cast %scan3A_107 : i32 to index
      %swap3A_138 = arith.constant 64 : index
      %swap3A_139 = tpu.vector_load %arg10[%swap3A_137, %swap3A_138] {strides = array<i32>} : memref<264x128xf32, #tpu.memory_space<vmem>>, vector<1x16xf32>,
      %swap3A_140 = vector.shape_cast %swap3A_139 : vector<1x16xf32> to vector<16xf32>
      %swap3A_141 = vector.shape_cast %broadcast_in_dim3A_136 : vector<16xf32> to vector<1x16xf32>
      tpu.vector_store %arg10[%swap3A_137, %swap3A_138], %swap3A_141 {strides = array<i32>} : memref<264x128xf32, #tpu.memory_space<vmem>>, vector<1x16xf32>,
      %broadcast_in_dim3A_142 = arith.constant 0.000000e+00 : f32
      %broadcast_in_dim3A_143 = vector.broadcast %broadcast_in_dim3A_142 : f32 to vector<16xf32>
      %swap3A_144 = arith.index_cast %scan3A_107 : i32 to index
      %swap3A_145 = arith.constant 80 : index
      %swap3A_146 = tpu.vector_load %arg10[%swap3A_144, %swap3A_145] {strides = array<i32>} : memref<264x128xf32, #tpu.memory_space<vmem>>, vector<1x16xf32>,
      %swap3A_147 = vector.shape_cast %swap3A_146 : vector<1x16xf32> to vector<16xf32>
      %swap3A_148 = vector.shape_cast %broadcast_in_dim3A_143 : vector<16xf32> to vector<1x16xf32>
      tpu.vector_store %arg10[%swap3A_144, %swap3A_145], %swap3A_148 {strides = array<i32>} : memref<264x128xf32, #tpu.memory_space<vmem>>, vector<1x16xf32>,
      %broadcast_in_dim3A_149 = arith.constant 0.000000e+00 : f32
      %broadcast_in_dim3A_150 = vector.broadcast %broadcast_in_dim3A_149 : f32 to vector<16xf32>
      %swap3A_151 = arith.index_cast %scan3A_107 : i32 to index
      %swap3A_152 = arith.constant 96 : index
      %swap3A_153 = tpu.vector_load %arg10[%swap3A_151, %swap3A_152] {strides = array<i32>} : memref<264x128xf32, #tpu.memory_space<vmem>>, vector<1x16xf32>,
      %swap3A_154 = vector.shape_cast %swap3A_153 : vector<1x16xf32> to vector<16xf32>
      %swap3A_155 = vector.shape_cast %broadcast_in_dim3A_150 : vector<16xf32> to vector<1x16xf32>
      tpu.vector_store %arg10[%swap3A_151, %swap3A_152], %swap3A_155 {strides = array<i32>} : memref<264x128xf32, #tpu.memory_space<vmem>>, vector<1x16xf32>,
      %broadcast_in_dim3A_156 = arith.constant 0.000000e+00 : f32
      %broadcast_in_dim3A_157 = vector.broadcast %broadcast_in_dim3A_156 : f32 to vector<16xf32>
      %swap3A_158 = arith.index_cast %scan3A_107 : i32 to index
      %swap3A_159 = arith.constant 112 : index
      %swap3A_160 = tpu.vector_load %arg10[%swap3A_158, %swap3A_159] {strides = array<i32>} : memref<264x128xf32, #tpu.memory_space<vmem>>, vector<1x16xf32>,
      %swap3A_161 = vector.shape_cast %swap3A_160 : vector<1x16xf32> to vector<16xf32>
      %swap3A_162 = vector.shape_cast %broadcast_in_dim3A_157 : vector<16xf32> to vector<1x16xf32>
      tpu.vector_store %arg10[%swap3A_158, %swap3A_159], %swap3A_162 {strides = array<i32>} : memref<264x128xf32, #tpu.memory_space<vmem>>, vector<1x16xf32>,
      %scan3A_163 = arith.constant 0 : i32
      scf.yield %scan3A_163 : i32
    }
    %scan3A_77 = arith.constant 264 : i32
    %mul3A_78 = arith.constant 264 : i32
    %mul3A_79 = arith.muli %arg1, %mul3A_78 : i32
    "tpu.region"() ({
      %run_scoped3A = tpu.sem_alloc : memref<!tpu.dma_semaphore, #tpu.memory_space<semaphore_mem>>
      %dma_start3A = arith.constant 0 : i32
      %dma_start3A_107 = tpu.memref_slice %arg11[%mul3A_79, %dma_start3A] : memref<4224x128xf32, #tpu.memory_space<vmem_shared>> -> memref<264x128xf32, #tpu.memory_space<vmem_shared>>
      %dma_start3A_108 = arith.constant 0 : i32
      %dma_start3A_109 = tpu.memref_slice %arg11[%mul3A_79, %dma_start3A_108] : memref<4224x128xf32, #tpu.memory_space<vmem_shared>> -> memref<264x128xf32, #tpu.memory_space<vmem_shared>>
      tpu.enqueue_dma source(%arg10 : memref<264x128xf32, #tpu.memory_space<vmem>>) target(%dma_start3A_109 : memref<264x128xf32, #tpu.memory_space<vmem_shared>>) target_semaphore(%run_scoped3A : memref<!tpu.dma_semaphore, #tpu.memory_space<semaphore_mem>>)
      %dma_wait3A = arith.constant 0 : i32
      %dma_wait3A_110 = tpu.memref_slice %arg11[%mul3A_79, %dma_wait3A] : memref<4224x128xf32, #tpu.memory_space<vmem_shared>> -> memref<264x128xf32, #tpu.memory_space<vmem_shared>>
      %dma_wait3A_111 = arith.constant 0 : i32
      %dma_wait3A_112 = tpu.memref_slice %arg11[%mul3A_79, %dma_wait3A_111] : memref<4224x128xf32, #tpu.memory_space<vmem_shared>> -> memref<264x128xf32, #tpu.memory_space<vmem_shared>>
      tpu.wait_dma2 semaphore(%run_scoped3A : memref<!tpu.dma_semaphore, #tpu.memory_space<semaphore_mem>>) src(%arg10 : memref<264x128xf32, #tpu.memory_space<vmem>>) dst(%dma_wait3A_112 : memref<264x128xf32, #tpu.memory_space<vmem_shared>>)
      tpu.yield
    }) : () -> ()
    %scan3A_80 = arith.constant 8192 : i32
    %scan3A_81 = arith.constant 12288 : i32
    %scan3A_82 = arith.constant 127 : i32
    %scan3A_83 = arith.constant 4096 : i32
    %scan3A_84 = arith.constant 0 : i32
    %scan3A_85 = arith.constant 0 : i32
    %scan3A_86 = arith.constant 125 : i32
    %scan3A_87 = arith.addi %scan3A_85, %scan3A_86 : i32
    %scan3A_88 = arith.constant 1 : i32
    %scan3A_89 = scf.for %scan3A_107 = %scan3A_85 to %scan3A_87 step %scan3A_88 iter_args(%scan3A_108 = %scan3A_84) -> (i32)  : i32 {
      %get3A = arith.index_cast %scan3A_107 : i32 to index
      %get3A_109 = arith.constant 0 : index
      %get3A_110 = tpu.vector_load %arg7[%get3A, %get3A_109] {strides = array<i32>} : memref<125x80xi32, #tpu.memory_space<vmem>>, vector<1x16xi32>,
      %get3A_111 = vector.shape_cast %get3A_110 : vector<1x16xi32> to vector<16xi32>
      %ge3A = vector.broadcast %scan3A_80 : i32 to vector<16xi32>
      %ge3A_112 = arith.cmpi sge, %get3A_111, %ge3A : vector<16xi32>
      %lt3A = vector.broadcast %scan3A_81 : i32 to vector<16xi32>
      %lt3A_113 = arith.cmpi slt, %get3A_111, %lt3A : vector<16xi32>
      %and3A = arith.andi %ge3A_112, %lt3A_113 : vector<16xi1>
      %sub3A = vector.broadcast %scan3A_80 : i32 to vector<16xi32>
      %sub3A_114 = arith.subi %get3A_111, %sub3A : vector<16xi32>
      %and3A_115 = vector.broadcast %scan3A_82 : i32 to vector<16xi32>
      %and3A_116 = arith.andi %get3A_111, %and3A_115 : vector<16xi32>
      %add3A_117 = vector.broadcast %scan3A_83 : i32 to vector<16xi32>
      %add3A_118 = arith.addi %add3A_117, %and3A_116 : vector<16xi32>
      %select_n3A = arith.select %and3A, %sub3A_114, %add3A_118 : vector<16xi1>, vector<16xi32>
      %swap3A = arith.index_cast %scan3A_107 : i32 to index
      %swap3A_119 = arith.constant 0 : index
      %swap3A_120 = tpu.vector_load %arg8[%swap3A, %swap3A_119] {strides = array<i32>} : memref<125x80xi32, #tpu.memory_space<vmem>>, vector<1x16xi32>,
      %swap3A_121 = vector.shape_cast %swap3A_120 : vector<1x16xi32> to vector<16xi32>
      %swap3A_122 = vector.shape_cast %select_n3A : vector<16xi32> to vector<1x16xi32>
      tpu.vector_store %arg8[%swap3A, %swap3A_119], %swap3A_122 {strides = array<i32>} : memref<125x80xi32, #tpu.memory_space<vmem>>, vector<1x16xi32>,
      %get3A_123 = arith.index_cast %scan3A_107 : i32 to index
      %get3A_124 = arith.constant 16 : index
      %get3A_125 = tpu.vector_load %arg7[%get3A_123, %get3A_124] {strides = array<i32>} : memref<125x80xi32, #tpu.memory_space<vmem>>, vector<1x16xi32>,
      %get3A_126 = vector.shape_cast %get3A_125 : vector<1x16xi32> to vector<16xi32>
      %ge3A_127 = vector.broadcast %scan3A_80 : i32 to vector<16xi32>
      %ge3A_128 = arith.cmpi sge, %get3A_126, %ge3A_127 : vector<16xi32>
      %lt3A_129 = vector.broadcast %scan3A_81 : i32 to vector<16xi32>
      %lt3A_130 = arith.cmpi slt, %get3A_126, %lt3A_129 : vector<16xi32>
      %and3A_131 = arith.andi %ge3A_128, %lt3A_130 : vector<16xi1>
      %sub3A_132 = vector.broadcast %scan3A_80 : i32 to vector<16xi32>
      %sub3A_133 = arith.subi %get3A_126, %sub3A_132 : vector<16xi32>
      %and3A_134 = vector.broadcast %scan3A_82 : i32 to vector<16xi32>
      %and3A_135 = arith.andi %get3A_126, %and3A_134 : vector<16xi32>
      %add3A_136 = vector.broadcast %scan3A_83 : i32 to vector<16xi32>
      %add3A_137 = arith.addi %add3A_136, %and3A_135 : vector<16xi32>
      %select_n3A_138 = arith.select %and3A_131, %sub3A_133, %add3A_137 : vector<16xi1>, vector<16xi32>
      %swap3A_139 = arith.index_cast %scan3A_107 : i32 to index
      %swap3A_140 = arith.constant 16 : index
      %swap3A_141 = tpu.vector_load %arg8[%swap3A_139, %swap3A_140] {strides = array<i32>} : memref<125x80xi32, #tpu.memory_space<vmem>>, vector<1x16xi32>,
      %swap3A_142 = vector.shape_cast %swap3A_141 : vector<1x16xi32> to vector<16xi32>
      %swap3A_143 = vector.shape_cast %select_n3A_138 : vector<16xi32> to vector<1x16xi32>
      tpu.vector_store %arg8[%swap3A_139, %swap3A_140], %swap3A_143 {strides = array<i32>} : memref<125x80xi32, #tpu.memory_space<vmem>>, vector<1x16xi32>,
      %get3A_144 = arith.index_cast %scan3A_107 : i32 to index
      %get3A_145 = arith.constant 32 : index
      %get3A_146 = tpu.vector_load %arg7[%get3A_144, %get3A_145] {strides = array<i32>} : memref<125x80xi32, #tpu.memory_space<vmem>>, vector<1x16xi32>,
      %get3A_147 = vector.shape_cast %get3A_146 : vector<1x16xi32> to vector<16xi32>
      %ge3A_148 = vector.broadcast %scan3A_80 : i32 to vector<16xi32>
      %ge3A_149 = arith.cmpi sge, %get3A_147, %ge3A_148 : vector<16xi32>
      %lt3A_150 = vector.broadcast %scan3A_81 : i32 to vector<16xi32>
      %lt3A_151 = arith.cmpi slt, %get3A_147, %lt3A_150 : vector<16xi32>
      %and3A_152 = arith.andi %ge3A_149, %lt3A_151 : vector<16xi1>
      %sub3A_153 = vector.broadcast %scan3A_80 : i32 to vector<16xi32>
      %sub3A_154 = arith.subi %get3A_147, %sub3A_153 : vector<16xi32>
      %and3A_155 = vector.broadcast %scan3A_82 : i32 to vector<16xi32>
      %and3A_156 = arith.andi %get3A_147, %and3A_155 : vector<16xi32>
      %add3A_157 = vector.broadcast %scan3A_83 : i32 to vector<16xi32>
      %add3A_158 = arith.addi %add3A_157, %and3A_156 : vector<16xi32>
      %select_n3A_159 = arith.select %and3A_152, %sub3A_154, %add3A_158 : vector<16xi1>, vector<16xi32>
      %swap3A_160 = arith.index_cast %scan3A_107 : i32 to index
      %swap3A_161 = arith.constant 32 : index
      %swap3A_162 = tpu.vector_load %arg8[%swap3A_160, %swap3A_161] {strides = array<i32>} : memref<125x80xi32, #tpu.memory_space<vmem>>, vector<1x16xi32>,
      %swap3A_163 = vector.shape_cast %swap3A_162 : vector<1x16xi32> to vector<16xi32>
      %swap3A_164 = vector.shape_cast %select_n3A_159 : vector<16xi32> to vector<1x16xi32>
      tpu.vector_store %arg8[%swap3A_160, %swap3A_161], %swap3A_164 {strides = array<i32>} : memref<125x80xi32, #tpu.memory_space<vmem>>, vector<1x16xi32>,
      %get3A_165 = arith.index_cast %scan3A_107 : i32 to index
      %get3A_166 = arith.constant 48 : index
      %get3A_167 = tpu.vector_load %arg7[%get3A_165, %get3A_166] {strides = array<i32>} : memref<125x80xi32, #tpu.memory_space<vmem>>, vector<1x16xi32>,
      %get3A_168 = vector.shape_cast %get3A_167 : vector<1x16xi32> to vector<16xi32>
      %ge3A_169 = vector.broadcast %scan3A_80 : i32 to vector<16xi32>
      %ge3A_170 = arith.cmpi sge, %get3A_168, %ge3A_169 : vector<16xi32>
      %lt3A_171 = vector.broadcast %scan3A_81 : i32 to vector<16xi32>
      %lt3A_172 = arith.cmpi slt, %get3A_168, %lt3A_171 : vector<16xi32>
      %and3A_173 = arith.andi %ge3A_170, %lt3A_172 : vector<16xi1>
      %sub3A_174 = vector.broadcast %scan3A_80 : i32 to vector<16xi32>
      %sub3A_175 = arith.subi %get3A_168, %sub3A_174 : vector<16xi32>
      %and3A_176 = vector.broadcast %scan3A_82 : i32 to vector<16xi32>
      %and3A_177 = arith.andi %get3A_168, %and3A_176 : vector<16xi32>
      %add3A_178 = vector.broadcast %scan3A_83 : i32 to vector<16xi32>
      %add3A_179 = arith.addi %add3A_178, %and3A_177 : vector<16xi32>
      %select_n3A_180 = arith.select %and3A_173, %sub3A_175, %add3A_179 : vector<16xi1>, vector<16xi32>
      %swap3A_181 = arith.index_cast %scan3A_107 : i32 to index
      %swap3A_182 = arith.constant 48 : index
      %swap3A_183 = tpu.vector_load %arg8[%swap3A_181, %swap3A_182] {strides = array<i32>} : memref<125x80xi32, #tpu.memory_space<vmem>>, vector<1x16xi32>,
      %swap3A_184 = vector.shape_cast %swap3A_183 : vector<1x16xi32> to vector<16xi32>
      %swap3A_185 = vector.shape_cast %select_n3A_180 : vector<16xi32> to vector<1x16xi32>
      tpu.vector_store %arg8[%swap3A_181, %swap3A_182], %swap3A_185 {strides = array<i32>} : memref<125x80xi32, #tpu.memory_space<vmem>>, vector<1x16xi32>,
      %get3A_186 = arith.index_cast %scan3A_107 : i32 to index
      %get3A_187 = arith.constant 64 : index
      %get3A_188 = tpu.vector_load %arg7[%get3A_186, %get3A_187] {strides = array<i32>} : memref<125x80xi32, #tpu.memory_space<vmem>>, vector<1x16xi32>,
      %get3A_189 = vector.shape_cast %get3A_188 : vector<1x16xi32> to vector<16xi32>
      %ge3A_190 = vector.broadcast %scan3A_80 : i32 to vector<16xi32>
      %ge3A_191 = arith.cmpi sge, %get3A_189, %ge3A_190 : vector<16xi32>
      %lt3A_192 = vector.broadcast %scan3A_81 : i32 to vector<16xi32>
      %lt3A_193 = arith.cmpi slt, %get3A_189, %lt3A_192 : vector<16xi32>
      %and3A_194 = arith.andi %ge3A_191, %lt3A_193 : vector<16xi1>
      %sub3A_195 = vector.broadcast %scan3A_80 : i32 to vector<16xi32>
      %sub3A_196 = arith.subi %get3A_189, %sub3A_195 : vector<16xi32>
      %and3A_197 = vector.broadcast %scan3A_82 : i32 to vector<16xi32>
      %and3A_198 = arith.andi %get3A_189, %and3A_197 : vector<16xi32>
      %add3A_199 = vector.broadcast %scan3A_83 : i32 to vector<16xi32>
      %add3A_200 = arith.addi %add3A_199, %and3A_198 : vector<16xi32>
      %select_n3A_201 = arith.select %and3A_194, %sub3A_196, %add3A_200 : vector<16xi1>, vector<16xi32>
      %swap3A_202 = arith.index_cast %scan3A_107 : i32 to index
      %swap3A_203 = arith.constant 64 : index
      %swap3A_204 = tpu.vector_load %arg8[%swap3A_202, %swap3A_203] {strides = array<i32>} : memref<125x80xi32, #tpu.memory_space<vmem>>, vector<1x16xi32>,
      %swap3A_205 = vector.shape_cast %swap3A_204 : vector<1x16xi32> to vector<16xi32>
      %swap3A_206 = vector.shape_cast %select_n3A_201 : vector<16xi32> to vector<1x16xi32>
      tpu.vector_store %arg8[%swap3A_202, %swap3A_203], %swap3A_206 {strides = array<i32>} : memref<125x80xi32, #tpu.memory_space<vmem>>, vector<1x16xi32>,
      %scan3A_207 = arith.constant 0 : i32
      scf.yield %scan3A_207 : i32
    }
    %scan3A_90 = arith.constant 125 : i32
    %barrier3A_91 = arith.constant 0 : index
    tpu.barrier barrier_id(%barrier3A_91)
    %scan3A_92 = arith.constant 0 : i32
    %scan3A_93 = arith.constant 0 : i32
    %scan3A_94 = arith.constant 125 : i32
    %scan3A_95 = arith.addi %scan3A_93, %scan3A_94 : i32
    %scan3A_96 = arith.constant 1 : i32
    %scan3A_97 = scf.for %scan3A_107 = %scan3A_93 to %scan3A_95 step %scan3A_96 iter_args(%scan3A_108 = %scan3A_92) -> (i32)  : i32 {
      %dma_start3A = arith.constant 0 : i32
      %dma_start3A_109 = tpu.memref_slice %arg6[%scan3A_107, %dma_start3A] : memref<125x80xi32, #tpu.memory_space<vmem>> -> memref<1x80xi32, #tpu.memory_space<vmem>>
      %dma_start3A_110 = tpu.memref_squeeze %dma_start3A_109 : memref<1x80xi32, #tpu.memory_space<vmem>> -> memref<80xi32, #tpu.memory_space<vmem>>
      %dma_start3A_111 = arith.constant 0 : i32
      %dma_start3A_112 = arith.constant 0 : i32
      %dma_start3A_113 = tpu.memref_slice %arg2[%dma_start3A_111, %dma_start3A_112] : memref<10000x128xf32, #tpu.memory_space<hbm>> -> memref<10000x128xf32, #tpu.memory_space<hbm>>
      tpu.enqueue_indirect_dma source(%dma_start3A_113 : memref<10000x128xf32, #tpu.memory_space<hbm>>) target(%arg9 : memref<80x128xf32, #tpu.memory_space<vmem>>) offsets(%dma_start3A_110 : memref<80xi32, #tpu.memory_space<vmem>>) semaphore(%arg12 : memref<!tpu.dma_semaphore, #tpu.memory_space<semaphore_mem>>)
      %dma_wait3A = arith.constant 0 : i32
      %dma_wait3A_114 = tpu.memref_slice %arg6[%scan3A_107, %dma_wait3A] : memref<125x80xi32, #tpu.memory_space<vmem>> -> memref<1x80xi32, #tpu.memory_space<vmem>>
      %dma_wait3A_115 = tpu.memref_squeeze %dma_wait3A_114 : memref<1x80xi32, #tpu.memory_space<vmem>> -> memref<80xi32, #tpu.memory_space<vmem>>
      %dma_wait3A_116 = arith.constant 0 : i32
      %dma_wait3A_117 = arith.constant 0 : i32
      %dma_wait3A_118 = tpu.memref_slice %arg2[%dma_wait3A_116, %dma_wait3A_117] : memref<10000x128xf32, #tpu.memory_space<hbm>> -> memref<10000x128xf32, #tpu.memory_space<hbm>>
      tpu.wait_indirect_dma semaphore(%arg12 : memref<!tpu.dma_semaphore, #tpu.memory_space<semaphore_mem>>) src(%dma_wait3A_118 : memref<10000x128xf32, #tpu.memory_space<hbm>>) dst(%arg9 : memref<80x128xf32, #tpu.memory_space<vmem>>)
      %dma_start3A_119 = arith.constant 0 : i32
      %dma_start3A_120 = tpu.memref_slice %arg8[%scan3A_107, %dma_start3A_119] : memref<125x80xi32, #tpu.memory_space<vmem>> -> memref<1x80xi32, #tpu.memory_space<vmem>>
      %dma_start3A_121 = tpu.memref_squeeze %dma_start3A_120 : memref<1x80xi32, #tpu.memory_space<vmem>> -> memref<80xi32, #tpu.memory_space<vmem>>
      %dma_start3A_122 = arith.constant 0 : i32
      %dma_start3A_123 = arith.constant 0 : i32
      %dma_start3A_124 = tpu.memref_slice %arg11[%dma_start3A_122, %dma_start3A_123] : memref<4224x128xf32, #tpu.memory_space<vmem_shared>> -> memref<4224x128xf32, #tpu.memory_space<vmem_shared>>
      tpu.enqueue_indirect_dma source(%arg9 : memref<80x128xf32, #tpu.memory_space<vmem>>) target(%dma_start3A_124 : memref<4224x128xf32, #tpu.memory_space<vmem_shared>>) offsets(%dma_start3A_121 : memref<80xi32, #tpu.memory_space<vmem>>) semaphore(%arg13 : memref<!tpu.dma_semaphore, #tpu.memory_space<semaphore_mem>>) {add = true}
      %dma_wait3A_125 = arith.constant 0 : i32
      %dma_wait3A_126 = tpu.memref_slice %arg8[%scan3A_107, %dma_wait3A_125] : memref<125x80xi32, #tpu.memory_space<vmem>> -> memref<1x80xi32, #tpu.memory_space<vmem>>
      %dma_wait3A_127 = tpu.memref_squeeze %dma_wait3A_126 : memref<1x80xi32, #tpu.memory_space<vmem>> -> memref<80xi32, #tpu.memory_space<vmem>>
      %dma_wait3A_128 = arith.constant 0 : i32
      %dma_wait3A_129 = arith.constant 0 : i32
      %dma_wait3A_130 = tpu.memref_slice %arg11[%dma_wait3A_128, %dma_wait3A_129] : memref<4224x128xf32, #tpu.memory_space<vmem_shared>> -> memref<4224x128xf32, #tpu.memory_space<vmem_shared>>
      tpu.wait_indirect_dma semaphore(%arg13 : memref<!tpu.dma_semaphore, #tpu.memory_space<semaphore_mem>>) src(%arg9 : memref<80x128xf32, #tpu.memory_space<vmem>>) dst(%dma_wait3A_130 : memref<4224x128xf32, #tpu.memory_space<vmem_shared>>)
      %scan3A_131 = arith.constant 0 : i32
      scf.yield %scan3A_131 : i32
    }
    %scan3A_98 = arith.constant 125 : i32
    %barrier3A_99 = arith.constant 0 : index
    tpu.barrier barrier_id(%barrier3A_99)
    %mul3A_100 = arith.constant 256 : i32
    %mul3A_101 = arith.muli %arg1, %mul3A_100 : i32
    "tpu.region"() ({
      %run_scoped3A = tpu.sem_alloc : memref<!tpu.dma_semaphore, #tpu.memory_space<semaphore_mem>>
      %dma_start3A = arith.constant 0 : i32
      %dma_start3A_107 = arith.constant 0 : i32
      %dma_start3A_108 = tpu.memref_slice %arg10[%dma_start3A, %dma_start3A_107] : memref<264x128xf32, #tpu.memory_space<vmem>> -> memref<256x128xf32, #tpu.memory_space<vmem>>
      %dma_start3A_109 = arith.constant 0 : i32
      %dma_start3A_110 = tpu.memref_slice %arg11[%mul3A_101, %dma_start3A_109] : memref<4224x128xf32, #tpu.memory_space<vmem_shared>> -> memref<256x128xf32, #tpu.memory_space<vmem_shared>>
      %dma_start3A_111 = arith.constant 0 : i32
      %dma_start3A_112 = arith.constant 0 : i32
      %dma_start3A_113 = tpu.memref_slice %arg10[%dma_start3A_111, %dma_start3A_112] : memref<264x128xf32, #tpu.memory_space<vmem>> -> memref<256x128xf32, #tpu.memory_space<vmem>>
      %dma_start3A_114 = arith.constant 0 : i32
      %dma_start3A_115 = tpu.memref_slice %arg11[%mul3A_101, %dma_start3A_114] : memref<4224x128xf32, #tpu.memory_space<vmem_shared>> -> memref<256x128xf32, #tpu.memory_space<vmem_shared>>
      tpu.enqueue_dma source(%dma_start3A_115 : memref<256x128xf32, #tpu.memory_space<vmem_shared>>) target(%dma_start3A_113 : memref<256x128xf32, #tpu.memory_space<vmem>>) target_semaphore(%run_scoped3A : memref<!tpu.dma_semaphore, #tpu.memory_space<semaphore_mem>>)
      %dma_wait3A = arith.constant 0 : i32
      %dma_wait3A_116 = arith.constant 0 : i32
      %dma_wait3A_117 = tpu.memref_slice %arg10[%dma_wait3A, %dma_wait3A_116] : memref<264x128xf32, #tpu.memory_space<vmem>> -> memref<256x128xf32, #tpu.memory_space<vmem>>
      %dma_wait3A_118 = arith.constant 0 : i32
      %dma_wait3A_119 = tpu.memref_slice %arg11[%mul3A_101, %dma_wait3A_118] : memref<4224x128xf32, #tpu.memory_space<vmem_shared>> -> memref<256x128xf32, #tpu.memory_space<vmem_shared>>
      %dma_wait3A_120 = arith.constant 0 : i32
      %dma_wait3A_121 = arith.constant 0 : i32
      %dma_wait3A_122 = tpu.memref_slice %arg10[%dma_wait3A_120, %dma_wait3A_121] : memref<264x128xf32, #tpu.memory_space<vmem>> -> memref<256x128xf32, #tpu.memory_space<vmem>>
      %dma_wait3A_123 = arith.constant 0 : i32
      %dma_wait3A_124 = tpu.memref_slice %arg11[%mul3A_101, %dma_wait3A_123] : memref<4224x128xf32, #tpu.memory_space<vmem_shared>> -> memref<256x128xf32, #tpu.memory_space<vmem_shared>>
      tpu.wait_dma2 semaphore(%run_scoped3A : memref<!tpu.dma_semaphore, #tpu.memory_space<semaphore_mem>>) src(%dma_wait3A_124 : memref<256x128xf32, #tpu.memory_space<vmem_shared>>) dst(%dma_wait3A_122 : memref<256x128xf32, #tpu.memory_space<vmem>>)
      tpu.yield
    }) : () -> ()
    %mul3A_102 = arith.constant 256 : i32
    %mul3A_103 = arith.muli %arg1, %mul3A_102 : i32
    %add3A_104 = arith.constant 8192 : i32
    %add3A_105 = arith.addi %add3A_104, %mul3A_103 : i32
    "tpu.region"() ({
      %run_scoped3A = tpu.sem_alloc : memref<!tpu.dma_semaphore, #tpu.memory_space<semaphore_mem>>
      %dma_start3A = arith.constant 0 : i32
      %dma_start3A_107 = arith.constant 0 : i32
      %dma_start3A_108 = tpu.memref_slice %arg10[%dma_start3A, %dma_start3A_107] : memref<264x128xf32, #tpu.memory_space<vmem>> -> memref<256x128xf32, #tpu.memory_space<vmem>>
      %dma_start3A_109 = arith.constant 0 : i32
      %dma_start3A_110 = tpu.memref_slice %arg5[%arg0, %add3A_105, %dma_start3A_109] : memref<2x12288x128xf32, #tpu.memory_space<hbm>> -> memref<1x256x128xf32, #tpu.memory_space<hbm>>
      %dma_start3A_111 = tpu.memref_squeeze %dma_start3A_110 : memref<1x256x128xf32, #tpu.memory_space<hbm>> -> memref<256x128xf32, #tpu.memory_space<hbm>>
      %dma_start3A_112 = arith.constant 0 : i32
      %dma_start3A_113 = tpu.memref_slice %arg5[%arg0, %add3A_105, %dma_start3A_112] : memref<2x12288x128xf32, #tpu.memory_space<hbm>> -> memref<1x256x128xf32, #tpu.memory_space<hbm>>
      %dma_start3A_114 = tpu.memref_squeeze %dma_start3A_113 : memref<1x256x128xf32, #tpu.memory_space<hbm>> -> memref<256x128xf32, #tpu.memory_space<hbm>>
      %dma_start3A_115 = arith.constant 0 : i32
      %dma_start3A_116 = arith.constant 0 : i32
      %dma_start3A_117 = tpu.memref_slice %arg10[%dma_start3A_115, %dma_start3A_116] : memref<264x128xf32, #tpu.memory_space<vmem>> -> memref<256x128xf32, #tpu.memory_space<vmem>>
      tpu.enqueue_dma source(%dma_start3A_117 : memref<256x128xf32, #tpu.memory_space<vmem>>) target(%dma_start3A_114 : memref<256x128xf32, #tpu.memory_space<hbm>>) target_semaphore(%run_scoped3A : memref<!tpu.dma_semaphore, #tpu.memory_space<semaphore_mem>>)
      %dma_wait3A = arith.constant 0 : i32
      %dma_wait3A_118 = arith.constant 0 : i32
      %dma_wait3A_119 = tpu.memref_slice %arg10[%dma_wait3A, %dma_wait3A_118] : memref<264x128xf32, #tpu.memory_space<vmem>> -> memref<256x128xf32, #tpu.memory_space<vmem>>
      %dma_wait3A_120 = arith.constant 0 : i32
      %dma_wait3A_121 = tpu.memref_slice %arg5[%arg0, %add3A_105, %dma_wait3A_120] : memref<2x12288x128xf32, #tpu.memory_space<hbm>> -> memref<1x256x128xf32, #tpu.memory_space<hbm>>
      %dma_wait3A_122 = tpu.memref_squeeze %dma_wait3A_121 : memref<1x256x128xf32, #tpu.memory_space<hbm>> -> memref<256x128xf32, #tpu.memory_space<hbm>>
      %dma_wait3A_123 = arith.constant 0 : i32
      %dma_wait3A_124 = tpu.memref_slice %arg5[%arg0, %add3A_105, %dma_wait3A_123] : memref<2x12288x128xf32, #tpu.memory_space<hbm>> -> memref<1x256x128xf32, #tpu.memory_space<hbm>>
      %dma_wait3A_125 = tpu.memref_squeeze %dma_wait3A_124 : memref<1x256x128xf32, #tpu.memory_space<hbm>> -> memref<256x128xf32, #tpu.memory_space<hbm>>
      %dma_wait3A_126 = arith.constant 0 : i32
      %dma_wait3A_127 = arith.constant 0 : i32
      %dma_wait3A_128 = tpu.memref_slice %arg10[%dma_wait3A_126, %dma_wait3A_127] : memref<264x128xf32, #tpu.memory_space<vmem>> -> memref<256x128xf32, #tpu.memory_space<vmem>>
      tpu.wait_dma2 semaphore(%run_scoped3A : memref<!tpu.dma_semaphore, #tpu.memory_space<semaphore_mem>>) src(%dma_wait3A_128 : memref<256x128xf32, #tpu.memory_space<vmem>>) dst(%dma_wait3A_125 : memref<256x128xf32, #tpu.memory_space<hbm>>)
      tpu.yield
    }) : () -> ()
    %barrier3A_106 = arith.constant 0 : index
    tpu.barrier barrier_id(%barrier3A_106)
    return
  }
}

module attributes {stable_mosaic.version = 14 : i64} {
  func.func @_prep_body(%arg0: memref<2x12288x128xf32, #tpu.memory_space<vmem>>, %arg1: memref<10000x128xf32, #tpu.memory_space<vmem>>, %arg2: memref<128x128xf32, #tpu.memory_space<vmem>>, %arg3: memref<10000x1xf32, #tpu.memory_space<vmem>>, %arg4: memref<10000x128xf32, #tpu.memory_space<vmem>>) attributes {dimension_semantics = [], scalar_prefetch = 0 : i64, scratch_operands = 0 : i64, tpu.core_type = #tpu.core_type<tc>} {
    %get3A = arith.constant 0 : index
    %get3A_0 = arith.constant 0 : index
    %get3A_1 = arith.constant 0 : index
    %get3A_2 = vector.load %arg0[%get3A, %get3A_0, %get3A_1] : memref<2x12288x128xf32, #tpu.memory_space<vmem>>, vector<1x10000x1xf32>
    %get3A_3 = vector.shape_cast %get3A_2 : vector<1x10000x1xf32> to vector<10000x1xf32>
    %get3A_4 = arith.constant 1 : index
    %get3A_5 = arith.constant 0 : index
    %get3A_6 = arith.constant 0 : index
    %get3A_7 = vector.load %arg0[%get3A_4, %get3A_5, %get3A_6] : memref<2x12288x128xf32, #tpu.memory_space<vmem>>, vector<1x10000x1xf32>
    %get3A_8 = vector.shape_cast %get3A_7 : vector<1x10000x1xf32> to vector<10000x1xf32>
    %add3A = arith.addf %get3A_3, %get3A_8 : vector<10000x1xf32>
    %add3A_9 = arith.constant 1.000000e+00 : f32
    %add3A_10 = vector.broadcast %add3A_9 : f32 to vector<10000x1xf32>
    %add3A_11 = arith.addf %add3A, %add3A_10 : vector<10000x1xf32>
    %rsqrt3A = math.rsqrt %add3A_11 : vector<10000x1xf32>
    %swap3A = arith.constant 0 : index
    %swap3A_12 = arith.constant 0 : index
    %swap3A_13 = vector.load %arg3[%swap3A, %swap3A_12] : memref<10000x1xf32, #tpu.memory_space<vmem>>, vector<10000x1xf32>
    tpu.vector_store %arg3[%swap3A, %swap3A_12], %rsqrt3A {strides = array<i32>} : memref<10000x1xf32, #tpu.memory_space<vmem>>, vector<10000x1xf32>,
    %get3A_14 = arith.constant 0 : index
    %get3A_15 = arith.constant 0 : index
    %get3A_16 = vector.load %arg1[%get3A_14, %get3A_15] : memref<10000x128xf32, #tpu.memory_space<vmem>>, vector<10000x128xf32>
    %get3A_17 = arith.constant 0 : index
    %get3A_18 = arith.constant 0 : index
    %get3A_19 = vector.load %arg2[%get3A_17, %get3A_18] : memref<128x128xf32, #tpu.memory_space<vmem>>, vector<128x128xf32>
    %dot_general3A = arith.constant dense<0.000000e+00> : vector<10000x128xf32>
    %dot_general3A_20 = tpu.matmul %get3A_16, %get3A_19, %dot_general3A {dimension_numbers = #tpu.dot_dimension_numbers<[1], [0], [0], [1], [0, 0, 1, 1], [], []>, transpose_lhs_hint = false} : vector<10000x128xf32>, vector<128x128xf32>, vector<10000x128xf32> -> vector<10000x128xf32>
    %mul3A = vector.broadcast %rsqrt3A : vector<10000x1xf32> to vector<10000x128xf32>
    %mul3A_21 = arith.mulf %mul3A, %dot_general3A_20 : vector<10000x128xf32>
    %swap3A_22 = arith.constant 0 : index
    %swap3A_23 = arith.constant 0 : index
    %swap3A_24 = vector.load %arg4[%swap3A_22, %swap3A_23] : memref<10000x128xf32, #tpu.memory_space<vmem>>, vector<10000x128xf32>
    tpu.vector_store %arg4[%swap3A_22, %swap3A_23], %mul3A_21 {strides = array<i32>} : memref<10000x128xf32, #tpu.memory_space<vmem>>, vector<10000x128xf32>,
    return
  }
}

module attributes {stable_mosaic.version = 14 : i64} {
  func.func @_combine_body(%arg0: memref<2x12288x128xf32, #tpu.memory_space<vmem>>, %arg1: memref<10000x128xf32, #tpu.memory_space<vmem>>, %arg2: memref<10000x1xf32, #tpu.memory_space<vmem>>, %arg3: memref<1x128xf32, #tpu.memory_space<vmem>>, %arg4: memref<1x128xf32, #tpu.memory_space<vmem>>, %arg5: memref<1x128xf32, #tpu.memory_space<vmem>>, %arg6: memref<128x128xf32, #tpu.memory_space<vmem>>, %arg7: memref<10000x128xf32, #tpu.memory_space<vmem>>, %arg8: memref<10000x128xf32, #tpu.memory_space<vmem>>) attributes {dimension_semantics = [], scalar_prefetch = 0 : i64, scratch_operands = 0 : i64, tpu.core_type = #tpu.core_type<tc>} {
    %get3A = arith.constant 0 : index
    %get3A_0 = arith.constant 0 : index
    %get3A_1 = vector.load %arg2[%get3A, %get3A_0] : memref<10000x1xf32, #tpu.memory_space<vmem>>, vector<10000x1xf32>
    %get3A_2 = arith.constant 0 : index
    %get3A_3 = arith.constant 0 : index
    %get3A_4 = arith.constant 0 : index
    %get3A_5 = vector.load %arg0[%get3A_2, %get3A_3, %get3A_4] : memref<2x12288x128xf32, #tpu.memory_space<vmem>>, vector<1x10000x128xf32>
    %get3A_6 = vector.shape_cast %get3A_5 : vector<1x10000x128xf32> to vector<10000x128xf32>
    %get3A_7 = arith.constant 1 : index
    %get3A_8 = arith.constant 0 : index
    %get3A_9 = arith.constant 0 : index
    %get3A_10 = vector.load %arg0[%get3A_7, %get3A_8, %get3A_9] : memref<2x12288x128xf32, #tpu.memory_space<vmem>>, vector<1x10000x128xf32>
    %get3A_11 = vector.shape_cast %get3A_10 : vector<1x10000x128xf32> to vector<10000x128xf32>
    %add3A = arith.addf %get3A_6, %get3A_11 : vector<10000x128xf32>
    %get3A_12 = arith.constant 0 : index
    %get3A_13 = arith.constant 0 : index
    %get3A_14 = vector.load %arg1[%get3A_12, %get3A_13] : memref<10000x128xf32, #tpu.memory_space<vmem>>, vector<10000x128xf32>
    %add3A_15 = arith.addf %add3A, %get3A_14 : vector<10000x128xf32>
    %mul3A = vector.broadcast %get3A_1 : vector<10000x1xf32> to vector<10000x128xf32>
    %mul3A_16 = arith.mulf %mul3A, %add3A_15 : vector<10000x128xf32>
    %get3A_17 = arith.constant 0 : index
    %get3A_18 = arith.constant 0 : index
    %get3A_19 = vector.load %arg3[%get3A_17, %get3A_18] : memref<1x128xf32, #tpu.memory_space<vmem>>, vector<1x128xf32>
    %add3A_20 = vector.broadcast %get3A_19 : vector<1x128xf32> to vector<10000x128xf32>
    %add3A_21 = arith.addf %mul3A_16, %add3A_20 : vector<10000x128xf32>
    %reduce_sum3A = arith.constant dense<0.000000e+00> : vector<128xf32>
    %reduce_sum3A_22 = vector.multi_reduction <add>, %add3A_21, %reduce_sum3A [0] : vector<10000x128xf32> to vector<128xf32>
    %broadcast_in_dim3A = vector.shape_cast %reduce_sum3A_22 : vector<128xf32> to vector<1x128xf32>
    %div3A = arith.constant 1.000000e+04 : f32
    %div3A_23 = vector.broadcast %div3A : f32 to vector<1x128xf32>
    %div3A_24 = arith.divf %broadcast_in_dim3A, %div3A_23 : vector<1x128xf32>
    %sub3A = vector.broadcast %div3A_24 : vector<1x128xf32> to vector<10000x128xf32>
    %sub3A_25 = arith.subf %add3A_21, %sub3A : vector<10000x128xf32>
    %mul3A_26 = arith.mulf %sub3A_25, %sub3A_25 : vector<10000x128xf32>
    %reduce_sum3A_27 = arith.constant dense<0.000000e+00> : vector<128xf32>
    %reduce_sum3A_28 = vector.multi_reduction <add>, %mul3A_26, %reduce_sum3A_27 [0] : vector<10000x128xf32> to vector<128xf32>
    %broadcast_in_dim3A_29 = vector.shape_cast %reduce_sum3A_28 : vector<128xf32> to vector<1x128xf32>
    %div3A_30 = arith.constant 1.000000e+04 : f32
    %div3A_31 = vector.broadcast %div3A_30 : f32 to vector<1x128xf32>
    %div3A_32 = arith.divf %broadcast_in_dim3A_29, %div3A_31 : vector<1x128xf32>
    %get3A_33 = arith.constant 0 : index
    %get3A_34 = arith.constant 0 : index
    %get3A_35 = vector.load %arg4[%get3A_33, %get3A_34] : memref<1x128xf32, #tpu.memory_space<vmem>>, vector<1x128xf32>
    %mul3A_36 = vector.broadcast %get3A_35 : vector<1x128xf32> to vector<10000x128xf32>
    %mul3A_37 = arith.mulf %mul3A_36, %sub3A_25 : vector<10000x128xf32>
    %add3A_38 = arith.constant 9.99999974E-6 : f32
    %add3A_39 = vector.broadcast %add3A_38 : f32 to vector<1x128xf32>
    %add3A_40 = arith.addf %div3A_32, %add3A_39 : vector<1x128xf32>
    %rsqrt3A = math.rsqrt %add3A_40 : vector<1x128xf32>
    %mul3A_41 = vector.broadcast %rsqrt3A : vector<1x128xf32> to vector<10000x128xf32>
    %mul3A_42 = arith.mulf %mul3A_37, %mul3A_41 : vector<10000x128xf32>
    %get3A_43 = arith.constant 0 : index
    %get3A_44 = arith.constant 0 : index
    %get3A_45 = vector.load %arg5[%get3A_43, %get3A_44] : memref<1x128xf32, #tpu.memory_space<vmem>>, vector<1x128xf32>
    %add3A_46 = vector.broadcast %get3A_45 : vector<1x128xf32> to vector<10000x128xf32>
    %add3A_47 = arith.addf %mul3A_42, %add3A_46 : vector<10000x128xf32>
    %max3A = arith.constant 0.000000e+00 : f32
    %max3A_48 = vector.broadcast %max3A : f32 to vector<10000x128xf32>
    %max3A_49 = arith.maximumf %add3A_47, %max3A_48 : vector<10000x128xf32>
    %swap3A = arith.constant 0 : index
    %swap3A_50 = arith.constant 0 : index
    %swap3A_51 = vector.load %arg7[%swap3A, %swap3A_50] : memref<10000x128xf32, #tpu.memory_space<vmem>>, vector<10000x128xf32>
    tpu.vector_store %arg7[%swap3A, %swap3A_50], %max3A_49 {strides = array<i32>} : memref<10000x128xf32, #tpu.memory_space<vmem>>, vector<10000x128xf32>,
    %get3A_52 = arith.constant 0 : index
    %get3A_53 = arith.constant 0 : index
    %get3A_54 = vector.load %arg6[%get3A_52, %get3A_53] : memref<128x128xf32, #tpu.memory_space<vmem>>, vector<128x128xf32>
    %dot_general3A = arith.constant dense<0.000000e+00> : vector<10000x128xf32>
    %dot_general3A_55 = tpu.matmul %max3A_49, %get3A_54, %dot_general3A {dimension_numbers = #tpu.dot_dimension_numbers<[1], [0], [0], [1], [0, 0, 1, 1], [], []>, transpose_lhs_hint = false} : vector<10000x128xf32>, vector<128x128xf32>, vector<10000x128xf32> -> vector<10000x128xf32>
    %mul3A_56 = vector.broadcast %get3A_1 : vector<10000x1xf32> to vector<10000x128xf32>
    %mul3A_57 = arith.mulf %mul3A_56, %dot_general3A_55 : vector<10000x128xf32>
    %swap3A_58 = arith.constant 0 : index
    %swap3A_59 = arith.constant 0 : index
    %swap3A_60 = vector.load %arg8[%swap3A_58, %swap3A_59] : memref<10000x128xf32, #tpu.memory_space<vmem>>, vector<10000x128xf32>
    tpu.vector_store %arg8[%swap3A_58, %swap3A_59], %mul3A_57 {strides = array<i32>} : memref<10000x128xf32, #tpu.memory_space<vmem>>, vector<10000x128xf32>,
    return
  }
}

module attributes {stable_mosaic.version = 14 : i64} {
  func.func @_combine_body(%arg0: memref<2x12288x128xf32, #tpu.memory_space<vmem>>, %arg1: memref<10000x128xf32, #tpu.memory_space<vmem>>, %arg2: memref<10000x1xf32, #tpu.memory_space<vmem>>, %arg3: memref<1x128xf32, #tpu.memory_space<vmem>>, %arg4: memref<1x128xf32, #tpu.memory_space<vmem>>, %arg5: memref<1x128xf32, #tpu.memory_space<vmem>>, %arg6: memref<10000x128xf32, #tpu.memory_space<vmem>>, %arg7: memref<128x128xf32, #tpu.memory_space<vmem>>, %arg8: memref<10000x128xf32, #tpu.memory_space<vmem>>, %arg9: memref<10000x128xf32, #tpu.memory_space<vmem>>) attributes {dimension_semantics = [], scalar_prefetch = 0 : i64, scratch_operands = 0 : i64, tpu.core_type = #tpu.core_type<tc>} {
    %get3A = arith.constant 0 : index
    %get3A_0 = arith.constant 0 : index
    %get3A_1 = vector.load %arg2[%get3A, %get3A_0] : memref<10000x1xf32, #tpu.memory_space<vmem>>, vector<10000x1xf32>
    %get3A_2 = arith.constant 0 : index
    %get3A_3 = arith.constant 0 : index
    %get3A_4 = arith.constant 0 : index
    %get3A_5 = vector.load %arg0[%get3A_2, %get3A_3, %get3A_4] : memref<2x12288x128xf32, #tpu.memory_space<vmem>>, vector<1x10000x128xf32>
    %get3A_6 = vector.shape_cast %get3A_5 : vector<1x10000x128xf32> to vector<10000x128xf32>
    %get3A_7 = arith.constant 1 : index
    %get3A_8 = arith.constant 0 : index
    %get3A_9 = arith.constant 0 : index
    %get3A_10 = vector.load %arg0[%get3A_7, %get3A_8, %get3A_9] : memref<2x12288x128xf32, #tpu.memory_space<vmem>>, vector<1x10000x128xf32>
    %get3A_11 = vector.shape_cast %get3A_10 : vector<1x10000x128xf32> to vector<10000x128xf32>
    %add3A = arith.addf %get3A_6, %get3A_11 : vector<10000x128xf32>
    %get3A_12 = arith.constant 0 : index
    %get3A_13 = arith.constant 0 : index
    %get3A_14 = vector.load %arg1[%get3A_12, %get3A_13] : memref<10000x128xf32, #tpu.memory_space<vmem>>, vector<10000x128xf32>
    %add3A_15 = arith.addf %add3A, %get3A_14 : vector<10000x128xf32>
    %mul3A = vector.broadcast %get3A_1 : vector<10000x1xf32> to vector<10000x128xf32>
    %mul3A_16 = arith.mulf %mul3A, %add3A_15 : vector<10000x128xf32>
    %get3A_17 = arith.constant 0 : index
    %get3A_18 = arith.constant 0 : index
    %get3A_19 = vector.load %arg3[%get3A_17, %get3A_18] : memref<1x128xf32, #tpu.memory_space<vmem>>, vector<1x128xf32>
    %add3A_20 = vector.broadcast %get3A_19 : vector<1x128xf32> to vector<10000x128xf32>
    %add3A_21 = arith.addf %mul3A_16, %add3A_20 : vector<10000x128xf32>
    %reduce_sum3A = arith.constant dense<0.000000e+00> : vector<128xf32>
    %reduce_sum3A_22 = vector.multi_reduction <add>, %add3A_21, %reduce_sum3A [0] : vector<10000x128xf32> to vector<128xf32>
    %broadcast_in_dim3A = vector.shape_cast %reduce_sum3A_22 : vector<128xf32> to vector<1x128xf32>
    %div3A = arith.constant 1.000000e+04 : f32
    %div3A_23 = vector.broadcast %div3A : f32 to vector<1x128xf32>
    %div3A_24 = arith.divf %broadcast_in_dim3A, %div3A_23 : vector<1x128xf32>
    %sub3A = vector.broadcast %div3A_24 : vector<1x128xf32> to vector<10000x128xf32>
    %sub3A_25 = arith.subf %add3A_21, %sub3A : vector<10000x128xf32>
    %mul3A_26 = arith.mulf %sub3A_25, %sub3A_25 : vector<10000x128xf32>
    %reduce_sum3A_27 = arith.constant dense<0.000000e+00> : vector<128xf32>
    %reduce_sum3A_28 = vector.multi_reduction <add>, %mul3A_26, %reduce_sum3A_27 [0] : vector<10000x128xf32> to vector<128xf32>
    %broadcast_in_dim3A_29 = vector.shape_cast %reduce_sum3A_28 : vector<128xf32> to vector<1x128xf32>
    %div3A_30 = arith.constant 1.000000e+04 : f32
    %div3A_31 = vector.broadcast %div3A_30 : f32 to vector<1x128xf32>
    %div3A_32 = arith.divf %broadcast_in_dim3A_29, %div3A_31 : vector<1x128xf32>
    %get3A_33 = arith.constant 0 : index
    %get3A_34 = arith.constant 0 : index
    %get3A_35 = vector.load %arg4[%get3A_33, %get3A_34] : memref<1x128xf32, #tpu.memory_space<vmem>>, vector<1x128xf32>
    %mul3A_36 = vector.broadcast %get3A_35 : vector<1x128xf32> to vector<10000x128xf32>
    %mul3A_37 = arith.mulf %mul3A_36, %sub3A_25 : vector<10000x128xf32>
    %add3A_38 = arith.constant 9.99999974E-6 : f32
    %add3A_39 = vector.broadcast %add3A_38 : f32 to vector<1x128xf32>
    %add3A_40 = arith.addf %div3A_32, %add3A_39 : vector<1x128xf32>
    %rsqrt3A = math.rsqrt %add3A_40 : vector<1x128xf32>
    %mul3A_41 = vector.broadcast %rsqrt3A : vector<1x128xf32> to vector<10000x128xf32>
    %mul3A_42 = arith.mulf %mul3A_37, %mul3A_41 : vector<10000x128xf32>
    %get3A_43 = arith.constant 0 : index
    %get3A_44 = arith.constant 0 : index
    %get3A_45 = vector.load %arg5[%get3A_43, %get3A_44] : memref<1x128xf32, #tpu.memory_space<vmem>>, vector<1x128xf32>
    %add3A_46 = vector.broadcast %get3A_45 : vector<1x128xf32> to vector<10000x128xf32>
    %add3A_47 = arith.addf %mul3A_42, %add3A_46 : vector<10000x128xf32>
    %max3A = arith.constant 0.000000e+00 : f32
    %max3A_48 = vector.broadcast %max3A : f32 to vector<10000x128xf32>
    %max3A_49 = arith.maximumf %add3A_47, %max3A_48 : vector<10000x128xf32>
    %get3A_50 = arith.constant 0 : index
    %get3A_51 = arith.constant 0 : index
    %get3A_52 = vector.load %arg6[%get3A_50, %get3A_51] : memref<10000x128xf32, #tpu.memory_space<vmem>>, vector<10000x128xf32>
    %add3A_53 = arith.addf %max3A_49, %get3A_52 : vector<10000x128xf32>
    %swap3A = arith.constant 0 : index
    %swap3A_54 = arith.constant 0 : index
    %swap3A_55 = vector.load %arg8[%swap3A, %swap3A_54] : memref<10000x128xf32, #tpu.memory_space<vmem>>, vector<10000x128xf32>
    tpu.vector_store %arg8[%swap3A, %swap3A_54], %add3A_53 {strides = array<i32>} : memref<10000x128xf32, #tpu.memory_space<vmem>>, vector<10000x128xf32>,
    %get3A_56 = arith.constant 0 : index
    %get3A_57 = arith.constant 0 : index
    %get3A_58 = vector.load %arg7[%get3A_56, %get3A_57] : memref<128x128xf32, #tpu.memory_space<vmem>>, vector<128x128xf32>
    %dot_general3A = arith.constant dense<0.000000e+00> : vector<10000x128xf32>
    %dot_general3A_59 = tpu.matmul %add3A_53, %get3A_58, %dot_general3A {dimension_numbers = #tpu.dot_dimension_numbers<[1], [0], [0], [1], [0, 0, 1, 1], [], []>, transpose_lhs_hint = false} : vector<10000x128xf32>, vector<128x128xf32>, vector<10000x128xf32> -> vector<10000x128xf32>
    %mul3A_60 = vector.broadcast %get3A_1 : vector<10000x1xf32> to vector<10000x128xf32>
    %mul3A_61 = arith.mulf %mul3A_60, %dot_general3A_59 : vector<10000x128xf32>
    %swap3A_62 = arith.constant 0 : index
    %swap3A_63 = arith.constant 0 : index
    %swap3A_64 = vector.load %arg9[%swap3A_62, %swap3A_63] : memref<10000x128xf32, #tpu.memory_space<vmem>>, vector<10000x128xf32>
    tpu.vector_store %arg9[%swap3A_62, %swap3A_63], %mul3A_61 {strides = array<i32>} : memref<10000x128xf32, #tpu.memory_space<vmem>>, vector<10000x128xf32>,
    return
  }
}

module attributes {stable_mosaic.version = 14 : i64} {
  func.func @_combine_body(%arg0: memref<2x12288x128xf32, #tpu.memory_space<vmem>>, %arg1: memref<10000x128xf32, #tpu.memory_space<vmem>>, %arg2: memref<10000x1xf32, #tpu.memory_space<vmem>>, %arg3: memref<1x128xf32, #tpu.memory_space<vmem>>, %arg4: memref<1x128xf32, #tpu.memory_space<vmem>>, %arg5: memref<1x128xf32, #tpu.memory_space<vmem>>, %arg6: memref<10000x128xf32, #tpu.memory_space<vmem>>, %arg7: memref<10000x128xf32, #tpu.memory_space<vmem>>) attributes {dimension_semantics = [], scalar_prefetch = 0 : i64, scratch_operands = 0 : i64, tpu.core_type = #tpu.core_type<tc>} {
    %get3A = arith.constant 0 : index
    %get3A_0 = arith.constant 0 : index
    %get3A_1 = vector.load %arg2[%get3A, %get3A_0] : memref<10000x1xf32, #tpu.memory_space<vmem>>, vector<10000x1xf32>
    %get3A_2 = arith.constant 0 : index
    %get3A_3 = arith.constant 0 : index
    %get3A_4 = arith.constant 0 : index
    %get3A_5 = vector.load %arg0[%get3A_2, %get3A_3, %get3A_4] : memref<2x12288x128xf32, #tpu.memory_space<vmem>>, vector<1x10000x128xf32>
    %get3A_6 = vector.shape_cast %get3A_5 : vector<1x10000x128xf32> to vector<10000x128xf32>
    %get3A_7 = arith.constant 1 : index
    %get3A_8 = arith.constant 0 : index
    %get3A_9 = arith.constant 0 : index
    %get3A_10 = vector.load %arg0[%get3A_7, %get3A_8, %get3A_9] : memref<2x12288x128xf32, #tpu.memory_space<vmem>>, vector<1x10000x128xf32>
    %get3A_11 = vector.shape_cast %get3A_10 : vector<1x10000x128xf32> to vector<10000x128xf32>
    %add3A = arith.addf %get3A_6, %get3A_11 : vector<10000x128xf32>
    %get3A_12 = arith.constant 0 : index
    %get3A_13 = arith.constant 0 : index
    %get3A_14 = vector.load %arg1[%get3A_12, %get3A_13] : memref<10000x128xf32, #tpu.memory_space<vmem>>, vector<10000x128xf32>
    %add3A_15 = arith.addf %add3A, %get3A_14 : vector<10000x128xf32>
    %mul3A = vector.broadcast %get3A_1 : vector<10000x1xf32> to vector<10000x128xf32>
    %mul3A_16 = arith.mulf %mul3A, %add3A_15 : vector<10000x128xf32>
    %get3A_17 = arith.constant 0 : index
    %get3A_18 = arith.constant 0 : index
    %get3A_19 = vector.load %arg3[%get3A_17, %get3A_18] : memref<1x128xf32, #tpu.memory_space<vmem>>, vector<1x128xf32>
    %add3A_20 = vector.broadcast %get3A_19 : vector<1x128xf32> to vector<10000x128xf32>
    %add3A_21 = arith.addf %mul3A_16, %add3A_20 : vector<10000x128xf32>
    %reduce_sum3A = arith.constant dense<0.000000e+00> : vector<128xf32>
    %reduce_sum3A_22 = vector.multi_reduction <add>, %add3A_21, %reduce_sum3A [0] : vector<10000x128xf32> to vector<128xf32>
    %broadcast_in_dim3A = vector.shape_cast %reduce_sum3A_22 : vector<128xf32> to vector<1x128xf32>
    %div3A = arith.constant 1.000000e+04 : f32
    %div3A_23 = vector.broadcast %div3A : f32 to vector<1x128xf32>
    %div3A_24 = arith.divf %broadcast_in_dim3A, %div3A_23 : vector<1x128xf32>
    %sub3A = vector.broadcast %div3A_24 : vector<1x128xf32> to vector<10000x128xf32>
    %sub3A_25 = arith.subf %add3A_21, %sub3A : vector<10000x128xf32>
    %mul3A_26 = arith.mulf %sub3A_25, %sub3A_25 : vector<10000x128xf32>
    %reduce_sum3A_27 = arith.constant dense<0.000000e+00> : vector<128xf32>
    %reduce_sum3A_28 = vector.multi_reduction <add>, %mul3A_26, %reduce_sum3A_27 [0] : vector<10000x128xf32> to vector<128xf32>
    %broadcast_in_dim3A_29 = vector.shape_cast %reduce_sum3A_28 : vector<128xf32> to vector<1x128xf32>
    %div3A_30 = arith.constant 1.000000e+04 : f32
    %div3A_31 = vector.broadcast %div3A_30 : f32 to vector<1x128xf32>
    %div3A_32 = arith.divf %broadcast_in_dim3A_29, %div3A_31 : vector<1x128xf32>
    %get3A_33 = arith.constant 0 : index
    %get3A_34 = arith.constant 0 : index
    %get3A_35 = vector.load %arg4[%get3A_33, %get3A_34] : memref<1x128xf32, #tpu.memory_space<vmem>>, vector<1x128xf32>
    %mul3A_36 = vector.broadcast %get3A_35 : vector<1x128xf32> to vector<10000x128xf32>
    %mul3A_37 = arith.mulf %mul3A_36, %sub3A_25 : vector<10000x128xf32>
    %add3A_38 = arith.constant 9.99999974E-6 : f32
    %add3A_39 = vector.broadcast %add3A_38 : f32 to vector<1x128xf32>
    %add3A_40 = arith.addf %div3A_32, %add3A_39 : vector<1x128xf32>
    %rsqrt3A = math.rsqrt %add3A_40 : vector<1x128xf32>
    %mul3A_41 = vector.broadcast %rsqrt3A : vector<1x128xf32> to vector<10000x128xf32>
    %mul3A_42 = arith.mulf %mul3A_37, %mul3A_41 : vector<10000x128xf32>
    %get3A_43 = arith.constant 0 : index
    %get3A_44 = arith.constant 0 : index
    %get3A_45 = vector.load %arg5[%get3A_43, %get3A_44] : memref<1x128xf32, #tpu.memory_space<vmem>>, vector<1x128xf32>
    %add3A_46 = vector.broadcast %get3A_45 : vector<1x128xf32> to vector<10000x128xf32>
    %add3A_47 = arith.addf %mul3A_42, %add3A_46 : vector<10000x128xf32>
    %max3A = arith.constant 0.000000e+00 : f32
    %max3A_48 = vector.broadcast %max3A : f32 to vector<10000x128xf32>
    %max3A_49 = arith.maximumf %add3A_47, %max3A_48 : vector<10000x128xf32>
    %get3A_50 = arith.constant 0 : index
    %get3A_51 = arith.constant 0 : index
    %get3A_52 = vector.load %arg6[%get3A_50, %get3A_51] : memref<10000x128xf32, #tpu.memory_space<vmem>>, vector<10000x128xf32>
    %add3A_53 = arith.addf %max3A_49, %get3A_52 : vector<10000x128xf32>
    %swap3A = arith.constant 0 : index
    %swap3A_54 = arith.constant 0 : index
    %swap3A_55 = vector.load %arg7[%swap3A, %swap3A_54] : memref<10000x128xf32, #tpu.memory_space<vmem>>, vector<10000x128xf32>
    tpu.vector_store %arg7[%swap3A, %swap3A_54], %add3A_53 {strides = array<i32>} : memref<10000x128xf32, #tpu.memory_space<vmem>>, vector<10000x128xf32>,
    return
  }
}

</mosaic_0001>

<sc_bundles>
// kernel: body.5.cloned.1.call-start
scs
__scs_entry_jumppad:
0x0: {  	(pc) =	sbr.rel $0x88, $3  }
0x1: {  	(tag) =	ssettag $0x0;
	lr =	simm.s32 $0x1  }
0x2: {  	[smem:$0x3F93] =	sst lr;
	_ =	strace $0xD0000000  }
0x3: {  	_ = 	snop  }
0x4: {  	_ = 	snop  }
0x5: {  	_ = 	snop  }
0x6: {  	_ = 	snop  }
0x7: {  	_ = 	snop  }
__scs_overlays_trampoline_lowered:
0x8: {  	[smem:$0x3FA2] =	sst s0  }
0x9: {  	[smem:$0x3FA3] =	sst s1  }
0xa: {  	[smem:$0x3FA4] =	sst s2  }
0xb: {  	[smem:$0x3FA5] =	sst s3  }
0xc: {  	[smem:$0x3FA6] =	sst s4  }
0xd: {  	[smem:$0x3FA7] =	sst s5  }
0xe: {  	[smem:$0x3FA8] =	sst s6  }
0xf: {  	[smem:$0x3FA9] =	sst s7  }
0x10: {  	[smem:$0x3FAA] =	sst s8  }
0x11: {  	[smem:$0x3FAB] =	sst s9;
	s0 =	simm.s32 @!p0 $0x0  }
0x12: {  	s1 =	sld [smem:$0x3F91];
	s0 =	simm.s32 @p0 $0x1  }
0x13: {  	[smem:$0x3FAC] =	sst s0;
	s0 =	simm.s32 @!p1 $0x0  }
0x14: {  	s2 =	sld [smem:$0x3F90];
	s0 =	simm.s32 @p1 $0x1  }
0x15: {  	[smem:$0x3FAD] =	sst s0;
	s0 =	simm.s32 @!p2 $0x0  }
0x16: {  	s3 =	sld [smem:$0x3FDB];
	s0 =	simm.s32 @p2 $0x1  }
0x17: {  	s4 =	simm.s32 $0x1BF5;
	[smem:$0x3FAF] =	sst s0  }
0x18: {  	s0 =	sld [smem:$0x3F92];
	_ =	swait.ge [sflag:s4], $0x0  }
0x19: {  	s7 =	sld [smem:$0x3F93]  }
0x1a: {  	s8 =	sadd.s32 $0xFFFFE003, lr  }
0x1b: {  	s9 =	sadd.s32 $0xFFFFFEF7, lr;
	s5 =	simm.s32 $0xFFFFFFFF;
	p2 =	slt.u32 s8, $0xFFFFF086  }
0x1c: {  	p1 =	slt.u32 s9, $0xF7A;
	s5 =	simm.s32 @!p2 $0x0  }
0x1d: {  	s5 =	simm.s32 @p1 $0x1;
	p0 =	seq.s32 s7, s2  }
0x1e: {  	s7 =	smul.u32 @!p0 $0xF7A, s2;
	p2 =	seq.s32 @!p0 s5, $0x0  }
0x1f: {  	s9 =	smul.u32 $0xF7A, s1;
	s8 =	simm.s32 @!p0 $0x1BF5;
	p2 =	por !p2, p0  }
0x20: {  	[sflag:s8] =	ssyncset.s32 @!p0 $0xFFFFF086;
	s6 =	sadd.s32 @!p0 s3, s7;
	s7 =	simm.s32 @!p0 $0x108  }
0x21: {  	s3 =	sadd.s32 s3, s9;
	s6 =	sadd.s32 @!p0 $0x88, s6;
	s7 =	simm.s32 @p2 $0x1082  }
0x22: {  	[simem:s7], [sflag:s8] =	dma.local @!p0 [hbm:s6], $0xF7A  }
0x23: {  	s9 =	sor.u32 $0xD0000000, s2;
	s6 =	simm.s32 $0x108;
	_ =	swait.ge @!p0 [sflag:s8], $0x0  }
0x24: {  	s3 =	sadd.s32 $0x88, s3;
	s6 =	simm.s32 @!p1 $0x1082;
	[sflag:s4] =	ssyncset.s32 $0xFFFFF086  }
0x25: {  	[simem:s6], [sflag:s4] =	dma.local [hbm:s3], $0xF7A  }
0x26: {  	[smem:$0x3F93] =	sst s1;
	(tag) =	ssettag s2;
	_ =	strace s9  }
0x27: {  	s1 =	sld [smem:$0x3FA3]  }
0x28: {  	s2 =	sld [smem:$0x3FA4]  }
0x29: {  	s4 =	sld [smem:$0x3FA6]  }
0x2a: {  	p0 =	seq.s32 s5, $0x0;
	s5 =	sld [smem:$0x3FA7]  }
0x2b: {  	s6 =	sld [smem:$0x3FA8]  }
0x2c: {  	s7 =	sld [smem:$0x3FA9]  }
0x2d: {  	s3 =	simm.s32 $0x108;
	s8 =	sld [smem:$0x3FAA]  }
0x2e: {  	s3 =	simm.s32 @!p0 $0x1082;
	s9 =	sld [smem:$0x3FAB]  }
0x2f: {  	lr =	sadd.s32 s0, s3;
	s0 =	sld [smem:$0x3FA2]  }
0x30: {  	s3 =	sld [smem:$0x3FA5]  }
0x31: {  	[smem:$0x3FAE] =	sst s10  }
0x32: {  	s10 =	sld [smem:$0x3FAC];
	_ =	sdelay $0x3  }
0x33: {  	p0 =	seq.s32 s10, $0x1;
	s10 =	sld [smem:$0x3FAE];
	_ =	sdelay $0x3  }
0x34: {  	[smem:$0x3FAE] =	sst s10  }
0x35: {  	s10 =	sld [smem:$0x3FAD];
	_ =	sdelay $0x3  }
0x36: {  	p1 =	seq.s32 s10, $0x1;
	s10 =	sld [smem:$0x3FAE];
	_ =	sdelay $0x3  }
0x37: {  	[smem:$0x3FAE] =	sst s10  }
0x38: {  	s10 =	sld [smem:$0x3FAF]  }
0x39: {  	_ = 	snop;
	(pc) =	sbr.ind lr, $3  }
0x3a: {  	_ = 	snop  }
0x3b: {  	_ = 	snop  }
0x3c: {  	p2 =	seq.s32 s10, $0x1;
	s10 =	sld [smem:$0x3FAE]  }
0x3d: {  	_ =	shalt  }
0x3e: {  	_ =	shalt  }
0x3f: {  	_ =	shalt  }
0x40: {  	_ =	shalt  }
0x41: {  	_ =	shalt  }
0x42: {  	_ =	shalt  }
0x43: {  	_ =	shalt  }
0x44: {  	_ =	shalt  }
0x45: {  	_ =	shalt  }
0x46: {  	_ =	shalt  }
0x47: {  	_ =	shalt  }
0x48: {  	_ =	shalt  }
0x49: {  	_ =	shalt  }
0x4a: {  	_ =	shalt  }
0x4b: {  	_ =	shalt  }
0x4c: {  	_ =	shalt  }
0x4d: {  	_ =	shalt  }
0x4e: {  	_ =	shalt  }
0x4f: {  	_ =	shalt  }
0x50: {  	_ =	shalt  }
0x51: {  	_ =	shalt  }
0x52: {  	_ =	shalt  }
0x53: {  	_ =	shalt  }
0x54: {  	_ =	shalt  }
0x55: {  	_ =	shalt  }
0x56: {  	_ =	shalt  }
0x57: {  	_ =	shalt  }
0x58: {  	_ =	shalt  }
0x59: {  	_ =	shalt  }
0x5a: {  	_ =	shalt  }
0x5b: {  	_ =	shalt  }
0x5c: {  	_ =	shalt  }
0x5d: {  	_ =	shalt  }
0x5e: {  	_ =	shalt  }
0x5f: {  	_ =	shalt  }
0x60: {  	_ =	shalt  }
0x61: {  	_ =	shalt  }
0x62: {  	_ =	shalt  }
0x63: {  	_ =	shalt  }
0x64: {  	_ =	shalt  }
0x65: {  	_ =	shalt  }
0x66: {  	_ =	shalt  }
0x67: {  	_ =	shalt  }
0x68: {  	_ =	shalt  }
0x69: {  	_ =	shalt  }
0x6a: {  	_ =	shalt  }
0x6b: {  	_ =	shalt  }
0x6c: {  	_ =	shalt  }
0x6d: {  	_ =	shalt  }
0x6e: {  	_ =	shalt  }
0x6f: {  	_ =	shalt  }
0x70: {  	_ =	shalt  }
0x71: {  	_ =	shalt  }
0x72: {  	_ =	shalt  }
0x73: {  	_ =	shalt  }
0x74: {  	_ =	shalt  }
0x75: {  	_ =	shalt  }
0x76: {  	_ =	shalt  }
0x77: {  	_ =	shalt  }
0x78: {  	_ =	shalt  }
0x79: {  	_ =	shalt  }
0x7a: {  	_ =	shalt  }
0x7b: {  	_ =	shalt  }
0x7c: {  	_ =	shalt  }
0x7d: {  	_ =	shalt  }
0x7e: {  	_ =	shalt  }
0x7f: {  	_ =	shalt  }
0x80: {  	_ =	shalt  }
0x81: {  	_ =	shalt  }
0x82: {  	_ =	shalt  }
0x83: {  	_ =	shalt  }
0x84: {  	_ =	shalt  }
0x85: {  	_ =	shalt  }
0x86: {  	_ =	shalt  }
0x87: {  	_ =	shalt  }
.Lfunc_end0:
.L_simem_size_0:
called_computation_lowered:
.L_overlay_start_0:
0x88: {  	s2 =	sld [smem:$0x3FD9]  }
0x89: {  	s3 =	sld [smem:$0x3FFE];
	_ =	sdelay $0x1  }
0x8a: {  	s1 =	srdreg.scid  }
0x8b: {  	s0 =	sand.u32 $0x1, s1  }
0x8c: {  	s16 =	sshll.u32 s0, $0xA;
	s2 =	sadd.s32 s3, s2  }
0x8d: {  	s2 =	sadd.s32 s2, s16  }
0x8e: {  	[smem:$0x3FBA] =	sst s2  }
0x8f: {  	_ = 	snop  }
0x90: {  	(tm) =	ssettm $0x1  }
0x91: {  	s17 =	sld [smem:$0x3FFB];
	_ =	sdelay $0x3  }
0x92: {  	_ =	strace s17  }
0x93: {  	s2 =	sld [smem:$0x3FFC];
	_ =	sdelay $0x3  }
0x94: {  	_ =	strace s2  }
0x95: {  	s2 =	sld [smem:$0x3FFD];
	_ =	sdelay $0x3  }
0x96: {  	_ =	strace s2  }
0x97: {  	_ =	strace $0x8FFFFFFF  }
0x98: {  	s18 =	sld [smem:$0x3FDB];
	_ =	sdelay $0x1  }
0x99: {  	s19 =	simm.s32 $_scs_section_size  }
0x9a: {  	s4 =	simm.s32 $_size__tile_overlayer_lowered;
	s5 =	simm.s32 $_tile_overlayer_lowered  }
0x9b: {  	s22 =	simm.s32 $0x1BFF;
	s21 =	sshll.u32 s5, $0x1;
	s2 =	sadd.s32 s19, s18  }
0x9c: {  	s6 =	simm.s32 $0x0;
	s20 =	sshll.u32 s4, $0x1;
	s4 =	sadd.s32 s21, s2  }
0x9d: {  	[timem:s6], [sflag:s22] =	dma.local [hbm:s4], s20  }
0x9e: {  	_ =	swait.ge [sflag:s22], s20  }
0x9f: {  	s3 =	ssub.s32 $0x0, s20;
	[sflag:s22] =	ssyncset.done $0x0  }
0xa0: {  	[sflag:s22] =	ssyncadd.s32 s3;
	_ =	sdelay $0x1  }
0xa1: {  	s23 =	simm.s32 $0x1B8B  }
0xa2: {  	_ =	swait.ge [sflag:s23], $0x1  }
0xa3: {  	[sflag:s23] =	ssyncset.done $0x0  }
0xa4: {  	s25 =	simm.s32 $0x1B8E;
	s24 =	sld [smem:$0x3FFE];
	[sflag:s23] =	ssyncadd.s32 $0xFFFFFFFF  }
0xa5: {  	s26 =	simm.s32 $execute0_lowered;
	[smem:$0x3FD2] =	sst s25  }
0xa6: {  	s4 =	sshll.u32 s26, $0x1;
	_ =	strace $0x80000046;
	[dreg:$0x1] =	wrdreg $0xFFFFFFFF  }
0xa7: {  	s28 =	simm.s32 $_size_execute0_lowered;
	s2 =	sadd.s32 s2, s4;
	[dreg:$0x0] =	wrdreg $0x0  }
0xa8: {  	s4 =	sshll.u32 s28, $0x1;
	[dreg:$0x2] =	wrdreg s2  }
0xa9: {  	[dreg:$0x3] =	wrdreg s4  }
0xaa: {  	[dreg:$0x4] =	wrdreg $0xC0  }
0xab: {  	_ =	task [dreg:s6], $0x5FFFF  }
0xac: {  	[dreg:$0x1] =	wrdreg $0xFFFFFFFF  }
0xad: {  	[dreg:$0x0] =	wrdreg $0x60  }
0xae: {  	[dreg:$0x2] =	wrdreg s24  }
0xaf: {  	[dreg:$0x3] =	wrdreg $0x16C000  }
0xb0: {  	[dreg:$0x4] =	wrdreg $0x9  }
0xb1: {  	_ =	task.clear_ibuf [dreg:s6], $0x5FFFF;
	_ =	strace $0x90000046  }
0xb2: {  	s29 =	simm.s32 $0x9;
	_ =	strace $0x80000048  }
0xb3: {  	_ =	swait.ge [sflag:s29], $0x1  }
0xb4: {  	[sflag:s29] =	ssyncadd.s32 $0xFFFFFFFF  }
0xb5: {  	_ =	strace $0x90000048  }
0xb6: {  	_ =	sfence  }
0xb7: {  	s30 =	sld [smem:$0x0];
	_ =	sdelay $0x2  }
0xb8: {  	s31 =	sshll.u32 s1, $0xD;
	s1 =	sshrl.u32 s1, $0x2  }
0xb9: {  	s3 =	sand.u32 $0x4000, s31;
	s1 =	sadd.s32 s1, s30  }
0xba: {  	s0 =	sor.u32 s3, s0;
	s1 =	sshll.u32 s1, $0x11  }
0xbb: {  	s0 =	sor.u32 s1, s0  }
0xbc: {  	s0 =	sadd.s32 $0x8F2B, s0  }
0xbd: {  	[sflag:s0] =	ssyncadd.remote.s32 $0x1  }
0xbe: {  	_ =	sfence.sel $0xFFFF  }
0xbf: {  	[dreg:$0x0] =	wrdreg $0xFFFFFFFF;
	(pc) =	sbr.abs _section_cstart, $3  }
0xc0: {  	[dreg:$0x1] =	wrdreg $0xFFFFFFFF  }
0xc1: {  	_ =	task.clear_ibuf [dreg:s6], $0x2FFFF;
	_ =	strace $0x9FFFFFFF  }
0xc2: {  	(tm) =	ssettm $0x7FFFFFFF  }
0xc3: {  	_ =	shalt  }
tec
execute0_lowered:
.L_overlay_start_1:
0x0: {  	(tag) =	ssettag $0x1  }
0x1: {  	s5 =	rddreg [dreg:$0x0]  }
0x2: {  	s1 =	rddreg [dreg:$0x1]  }
0x3: {  	s0 =	rddreg [dreg:$0x2];
	s3 =	simm.s32 $0x0;
	s4 =	srdreg.scid  }
0x4: {  	s2 =	stileid.u32;
	s14 =	simm.s32 $0x4000;
	s15 =	simm.s32 $0xE800  }
0x5: {  	s16 =	simm.s32 $0x50;
	s17 =	simm.s32 $0xC000;
	s18 =	simm.s32 $0x1  }
0x6: {  	s19 =	simm.s32 $0x2;
	s20 =	simm.s32 $0x0;
	[smem:$0x7FF] =	sst s3  }
0x7: {  	s6 =	sand.u32 $0x1, s4;
	s8 =	sshll.u32 s2, $0xB;
	s4 =	sadd.s32 $0x21800, s5  }
0x8: {  	s10 =	smul.u32 $0x21000, s2;
	s11 =	sadd.s32 $0x48A00, s5;
	s29 =	sshll.u32 s2, $0xF  }
0x9: {  	_ =	strace $0x80000047;
	s7 =	sshll.u32 s6, $0xF;
	s25 =	ssub.s32 $0x2, s6  }
0xa: {  	s26 =	smul.u32 $0x180000, s6;
	s7 =	sor.u32 s8, s7;
	s9 =	sshrl.u32 s25, $0x1  }
0xb: {  	s28 =	sshrl.u32 s10, $0x2;
	s8 =	sadd.s32 s29, s1;
	s7 =	sadd.s32 s7, s5  }
0xc: {  	s12 =	ssub.s32 s25, s9;
	s30 =	sor.u32 s29, s26;
	s5 =	sadd.s32 $0x1600, s7  }
0xd: {  	s6 =	sadd.s32 $0x11600, s7;
	s7 =	sadd.s32 s28, s1;
	s31 =	sadd.s32 $0x80000, s30  }
0xe: {  	s13 =	sadd.s32 $0x100000, s30;
	s9 =	sshrl.u32 s30, $0x3;
	s12 =	smax.u32 s12, $0x1  }
0xf: {  	s10 =	sshrl.u32 s31, $0x3;
	s13 =	sshrl.u32 s13, $0x3;
	s9 =	sadd.s32 s11, s9  }
0x10: {  	v0 =	vimm.f32 $0.0e+00;
	s10 =	sadd.s32 s11, s10;
	s11 =	sadd.s32 s11, s13;
	s13 =	simm.s32 $0x3  }
.LBB2_1:
0x11: {  	[tilespmem:s3], [sflag:$0x3] =	stream.linear.gather [hbm4b:s5+s3], $0x3E80, $0x38;
	[tilespmem:$0x1F000] =	vst v63  }
0x12: {  	_ =	swait.ge [sflag:s13], $0x3E80  }
0x13: {  	[sflag:s13] =	ssyncset.done $0x0  }
0x14: {  	[sflag:s13] =	ssyncadd.s32 $0xFFFFC180  }
0x15: {  	[tilespmem:s14], [sflag:$0x3] =	stream.linear.gather [hbm4b:s6+s3], $0x3E80, $0x38;
	[tilespmem:$0x1F000] =	vst v63  }
0x16: {  	_ =	swait.ge [sflag:s13], $0x3E80  }
0x17: {  	[sflag:s13] =	ssyncset.done $0x0  }
0x18: {  	s21 =	simm.s32 $0x0;
	s22 =	simm.s32 $0x200;
	[sflag:s13] =	ssyncadd.s32 $0xFFFFC180  }
.LBB2_2:
0x19: {  	p0 =	sne.s32 s22, $0x20E00;
	[tilespmem:s21+$0xE870] =	vst v0  }
0x1a: {  	[tilespmem:s21+$0xE800] =	vst v0  }
0x1b: {  	[tilespmem:s21+$0xE810] =	vst v0  }
.Ltmp0:
0x1c: {  	[tilespmem:s21+$0xE820] =	vst v0;
	(pc) =	sbr.rel @p0 .LBB2_2-.Ltmp0, $4  }
0x1d: {  	[tilespmem:s21+$0xE830] =	vst v0  }
0x1e: {  	[tilespmem:s21+$0xE840] =	vst v0  }
0x1f: {  	[tilespmem:s21+$0xE850] =	vst v0  }
0x20: {  	[tilespmem:s21+$0xE860] =	vst v0;
	s21 =	sshra.s32 s22, $0x2;
	s22 =	sadd.s32 $0x200, s22  }
0x21: {  	[tilespmem:s21+$0xE870] =	vst v0  }
0x22: {  	[tilespmem:s21+$0xE800] =	vst v0  }
0x23: {  	[tilespmem:s21+$0xE810] =	vst v0  }
0x24: {  	[tilespmem:s21+$0xE820] =	vst v0  }
0x25: {  	[tilespmem:s21+$0xE830] =	vst v0  }
0x26: {  	[tilespmem:s21+$0xE840] =	vst v0  }
0x27: {  	[tilespmem:s21+$0xE850] =	vst v0  }
0x28: {  	[tilespmem:s21+$0xE860] =	vst v0  }
0x29: {  	[spmem:s7] =	stream.linear.scatter [tilespmem:s15], [sflag:$0x3], $0x8400, $0x38;
	[tilespmem:$0x1F000] =	vst v63  }
0x2a: {  	_ =	swait.ge [sflag:s13], $0x8400  }
0x2b: {  	[sflag:s13] =	ssyncset.done $0x0  }
0x2c: {  	s22 =	simm.s32 $0x0;
	[sflag:s13] =	ssyncadd.s32 $0xFFFF7C00  }
0x2d: {  	v1 =	vld [tilespmem:s22+$0x4040]  }
0x2e: {  	v6 =	vld [tilespmem:s22+$0x4000]  }
0x2f: {  	v7 =	vld [tilespmem:s22+$0x4010]  }
0x30: {  	v8 =	vld [tilespmem:s22+$0x4020]  }
0x31: {  	v9 =	vld [tilespmem:s22+$0x4030];
	_ =	sdelay $0x1  }
0x32: {  	v2 =	vand.u32 $0x7F, v1  }
0x33: {  	s21 =	simm.s32 $0x80;
	vm0 =	vlt.u32 v1, $0x1000;
	v2 =	vor.u32 $0x1000, v2  }
0x34: {  	v3 =	vld [tilespmem:s21+$0x4040];
	v4 =	vand.u32 $0x7F, v6;
	v5 =	vand.u32 $0x7F, v8;
	v2 =	vsel vm0, v1, v2  }
0x35: {  	vm1 =	vlt.u32 v7, $0x1000;
	vm2 =	vlt.u32 v8, $0x1000;
	vm3 =	vlt.u32 v9, $0x1000;
	v1 =	vld [tilespmem:s21+$0x4000];
	[tilespmem:s22+$0x8040] =	vst v2  }
0x36: {  	v10 =	vor.u32 $0x1000, v4;
	v4 =	vand.u32 $0x7F, v7;
	v12 =	vor.u32 $0x1000, v5;
	v2 =	vld [tilespmem:s21+$0x4010]  }
0x37: {  	vm0 =	vlt.u32 v6, $0x1000;
	v11 =	vor.u32 $0x1000, v4;
	v4 =	vand.u32 $0x7F, v9;
	v5 =	vld [tilespmem:s21+$0x4020]  }
0x38: {  	v13 =	vor.u32 $0x1000, v4;
	v6 =	vsel vm0, v6, v10;
	v10 =	vsel vm1, v7, v11;
	v4 =	vld [tilespmem:s21+$0x4030]  }
0x39: {  	v7 =	vsel vm2, v8, v12;
	v11 =	vand.u32 $0x7F, v3;
	vm0 =	vlt.u32 v3, $0x1000;
	[tilespmem:s22+$0x8000] =	vst v6  }
0x3a: {  	s23 =	simm.s32 $0x100;
	s24 =	simm.s32 $0x600;
	v6 =	vsel vm3, v9, v13;
	v9 =	vor.u32 $0x1000, v11;
	[tilespmem:s22+$0x8010] =	vst v10;
	v8 =	vand.u32 $0x7F, v1  }
.LBB2_4:
0x3b: {  	p0 =	sne.s32 s24, $0xF800;
	v8 =	vor.u32 $0x1000, v8;
	v10 =	vand.u32 $0x7F, v2;
	v13 =	vsel vm0, v3, v9;
	v3 =	vld [tilespmem:s23+$0x4040];
	[tilespmem:s22+$0x8020] =	vst v7;
	v7 =	vmovc v2  }
0x3c: {  	vm0 =	vlt.u32 v1, $0x1000;
	v11 =	vld [tilespmem:s23+$0x4000];
	v10 =	vor.u32 $0x1000, v10;
	v12 =	vand.u32 $0x7F, v5;
	[tilespmem:s21+$0x8040] =	vst v13;
	v9 =	vmovc v5  }
.Ltmp1:
0x3d: {  	vm1 =	vlt.u32 v7, $0x1000;
	v2 =	vld [tilespmem:s23+$0x4010];
	v12 =	vor.u32 $0x1000, v12;
	v13 =	vand.u32 $0x7F, v4;
	[tilespmem:s22+$0x8030] =	vst v6;
	v6 =	vmovc v4;
	s22 =	smov.u32 s21;
	s21 =	smov.u32 s23;
	(pc) =	sbr.rel @p0 .LBB2_4-.Ltmp1, $4  }
0x3e: {  	vm2 =	vlt.u32 v9, $0x1000;
	v5 =	vld [tilespmem:s21+$0x4020];
	vm3 =	vlt.u32 v6, $0x1000;
	v13 =	vor.u32 $0x1000, v13  }
0x3f: {  	v14 =	vsel vm0, v1, v8;
	v10 =	vsel vm1, v7, v10;
	v7 =	vsel vm2, v9, v12;
	v4 =	vld [tilespmem:s21+$0x4030]  }
0x40: {  	v6 =	vsel vm3, v6, v13;
	v9 =	vand.u32 $0x7F, v3;
	[tilespmem:s22+$0x8000] =	vst v14  }
0x41: {  	s23 =	sshra.s32 s24, $0x2;
	s24 =	sadd.s32 $0x200, s24;
	vm0 =	vlt.u32 v3, $0x1000;
	v8 =	vand.u32 $0x7F, v11;
	v9 =	vor.u32 $0x1000, v9;
	[tilespmem:s22+$0x8010] =	vst v10;
	v1 =	vmovc v11  }
0x42: {  	v10 =	vld [tilespmem:s23+$0x4040];
	[tilespmem:s22+$0x8020] =	vst v7;
	v3 =	vsel vm0, v3, v9;
	v8 =	vor.u32 $0x1000, v8  }
0x43: {  	vm10 =	vlt.u32 v1, $0x1000;
	vm1 =	vlt.u32 v2, $0x1000;
	v7 =	vld [tilespmem:s23+$0x4000];
	[tilespmem:s21+$0x8040] =	vst v3;
	v3 =	vand.u32 $0x7F, v2  }
0x44: {  	v58 =	vand.u32 $0x7F, v5;
	vm2 =	vlt.u32 v5, $0x1000;
	v1 =	vsel vm10, v1, v8;
	v11 =	vld [tilespmem:s23+$0x4010]  }
0x45: {  	v3 =	vor.u32 $0x1000, v3;
	v9 =	vor.u32 $0x1000, v58;
	[tilespmem:s22+$0x8030] =	vst v6;
	v59 =	vand.u32 $0x7F, v4  }
0x46: {  	vm3 =	vlt.u32 v4, $0x1000;
	v12 =	vld [tilespmem:s23+$0x4020];
	v6 =	vor.u32 $0x1000, v59;
	v2 =	vsel vm1, v2, v3  }
0x47: {  	v13 =	vld [tilespmem:s23+$0x4030];
	v3 =	vsel vm2, v5, v9;
	[tilespmem:s21+$0x8000] =	vst v1;
	v1 =	vsel vm3, v4, v6;
	v60 =	vand.u32 $0x7F, v10  }
0x48: {  	[tilespmem:s21+$0x8010] =	vst v2;
	vm11 =	vlt.u32 v10, $0x1000;
	v61 =	vand.u32 $0x7F, v7;
	v5 =	vor.u32 $0x1000, v60  }
0x49: {  	[tilespmem:s21+$0x8020] =	vst v3;
	vm12 =	vlt.u32 v7, $0x1000;
	v62 =	vand.u32 $0x7F, v11;
	v5 =	vsel vm11, v10, v5  }
0x4a: {  	v2 =	vor.u32 $0x1000, v61;
	vm13 =	vlt.u32 v11, $0x1000;
	v3 =	vor.u32 $0x1000, v62;
	[tilespmem:s23+$0x8040] =	vst v5  }
0x4b: {  	v63 =	vand.u32 $0x7F, v12;
	vm14 =	vlt.u32 v12, $0x1000;
	[tilespmem:s21+$0x8030] =	vst v1;
	v1 =	vsel vm12, v7, v2  }
0x4c: {  	v4 =	vor.u32 $0x1000, v63;
	v2 =	vand.u32 $0x7F, v13;
	v3 =	vsel vm13, v11, v3;
	[tilespmem:s23+$0x8000] =	vst v1  }
0x4d: {  	vm15 =	vlt.u32 v13, $0x1000;
	v1 =	vor.u32 $0x1000, v2;
	v2 =	vsel vm14, v12, v4;
	[tilespmem:s23+$0x8010] =	vst v3  }
0x4e: {  	v1 =	vsel vm15, v13, v1;
	[tilespmem:s23+$0x8020] =	vst v2  }
0x4f: {  	[tilespmem:s23+$0x8030] =	vst v1  }
0x50: {  	s30 =	simm.s32 $0x0;
	[bflag:$0x0] =	sbarrier.arrive $0xFFFF  }
0x51: {  	[tilespmem:s17], [sflag:$0x1] =	stream.indirect.gather [hbm4b:s4+s16], $0x80, s30, s16, $0xb8;
	[tilespmem:$0x1F000] =	vst v63  }
0x52: {  	_ =	swait.ge [sflag:s18], $0x2800  }
0x53: {  	[sflag:s18] =	ssyncset.done $0x0  }
0x54: {  	s31 =	simm.s32 $0x8000;
	[sflag:s18] =	ssyncadd.s32 $0xFFFFD800  }
0x55: {  	[spmem:s1] =	stream.indirect.scatter.add.f32 [tilespmem:s17], [sflag:$0x2], $0x80, s31, s16, $0xb8;
	[tilespmem:$0x1F000] =	vst v63  }
0x56: {  	_ =	swait.ge [sflag:s19], $0x2800  }
0x57: {  	s22 =	simm.s32 $0x400;
	s21 =	simm.s32 $0x200;
	[sflag:s19] =	ssyncset.done $0x0  }
.LBB2_6:
0x58: {  	s23 =	sshra.s32 s21, $0x2  }
0x59: {  	[sflag:s19] =	ssyncadd.s32 $0xFFFFD800;
	s21 =	smov.u32 s22;
	s24 =	sadd.s32 $0x200, s22  }
0x5a: {  	[tilespmem:s17], [sflag:$0x1] =	stream.indirect.gather [hbm4b:s4+s16], $0x80, s23, s16, $0xb8;
	[tilespmem:$0x1F000] =	vst v63  }
0x5b: {  	p0 =	sne.s32 s22, $0xF800;
	_ =	swait.ge [sflag:s18], $0x2800  }
.Ltmp2:
0x5c: {  	[sflag:s18] =	ssyncset.done $0x0;
	(pc) =	sbr.rel @p0 .LBB2_6-.Ltmp2, $4  }
0x5d: {  	s22 =	sadd.s32 $0x8000, s23;
	[sflag:s18] =	ssyncadd.s32 $0xFFFFD800  }
0x5e: {  	[spmem:s1] =	stream.indirect.scatter.add.f32 [tilespmem:s17], [sflag:$0x2], $0x80, s22, s16, $0xb8;
	[tilespmem:$0x1F000] =	vst v63  }
0x5f: {  	_ =	swait.ge [sflag:s19], $0x2800  }
0x60: {  	s22 =	smov.u32 s24;
	[sflag:s19] =	ssyncset.done $0x0  }
0x61: {  	s21 =	sshra.s32 s21, $0x2;
	[sflag:s19] =	ssyncadd.s32 $0xFFFFD800  }
0x62: {  	[tilespmem:s17], [sflag:$0x1] =	stream.indirect.gather [hbm4b:s4+s16], $0x80, s21, s16, $0xb8;
	[tilespmem:$0x1F000] =	vst v63  }
0x63: {  	_ =	swait.ge [sflag:s18], $0x2800  }
0x64: {  	[sflag:s18] =	ssyncset.done $0x0  }
0x65: {  	s21 =	sadd.s32 $0x8000, s21;
	[sflag:s18] =	ssyncadd.s32 $0xFFFFD800  }
0x66: {  	[spmem:s1] =	stream.indirect.scatter.add.f32 [tilespmem:s17], [sflag:$0x2], $0x80, s21, s16, $0xb8;
	[tilespmem:$0x1F000] =	vst v63  }
0x67: {  	_ =	swait.ge [sflag:s19], $0x2800  }
0x68: {  	[sflag:s19] =	ssyncset.done $0x0  }
0x69: {  	[sflag:s19] =	ssyncadd.s32 $0xFFFFD800  }
0x6a: {  	[bflag:$0x0] =	sbarrier.arrive $0xFFFF  }
0x6b: {  	[tilespmem:s15], [sflag:$0x3] =	stream.linear.gather [spmem:s8], $0x8000, $0x38;
	[tilespmem:$0x1F000] =	vst v63  }
0x6c: {  	_ =	swait.ge [sflag:s13], $0x8000  }
0x6d: {  	[sflag:s13] =	ssyncset.done $0x0  }
0x6e: {  	s31 =	simm.s32 $0x0;
	[sflag:s13] =	ssyncadd.s32 $0xFFFF8000  }
0x6f: {  	[hbm4b:s9+s31] =	stream.linear.scatter [tilespmem:s15], [sflag:$0x3], $0x8000, $0x38;
	[tilespmem:$0x1F000] =	vst v63  }
0x70: {  	_ =	swait.ge [sflag:s13], $0x8000  }
0x71: {  	[sflag:s13] =	ssyncset.done $0x0  }
0x72: {  	[sflag:s13] =	ssyncadd.s32 $0xFFFF8000  }
0x73: {  	s22 =	simm.s32 $0x200;
	s21 =	simm.s32 $0x0;
	[bflag:$0x0] =	sbarrier.arrive $0xFFFF  }
.LBB2_8:
0x74: {  	p0 =	sne.s32 s22, $0x20E00;
	[tilespmem:s21+$0xE870] =	vst v0  }
0x75: {  	[tilespmem:s21+$0xE800] =	vst v0  }
0x76: {  	[tilespmem:s21+$0xE810] =	vst v0  }
.Ltmp3:
0x77: {  	[tilespmem:s21+$0xE820] =	vst v0;
	(pc) =	sbr.rel @p0 .LBB2_8-.Ltmp3, $4  }
0x78: {  	[tilespmem:s21+$0xE830] =	vst v0  }
0x79: {  	[tilespmem:s21+$0xE840] =	vst v0  }
0x7a: {  	[tilespmem:s21+$0xE850] =	vst v0  }
0x7b: {  	[tilespmem:s21+$0xE860] =	vst v0;
	s21 =	sshra.s32 s22, $0x2;
	s22 =	sadd.s32 $0x200, s22  }
0x7c: {  	[tilespmem:s21+$0xE870] =	vst v0  }
0x7d: {  	[tilespmem:s21+$0xE800] =	vst v0  }
0x7e: {  	[tilespmem:s21+$0xE810] =	vst v0  }
0x7f: {  	[tilespmem:s21+$0xE820] =	vst v0  }
0x80: {  	[tilespmem:s21+$0xE830] =	vst v0  }
0x81: {  	[tilespmem:s21+$0xE840] =	vst v0  }
0x82: {  	[tilespmem:s21+$0xE850] =	vst v0  }
0x83: {  	[tilespmem:s21+$0xE860] =	vst v0  }
0x84: {  	[spmem:s7] =	stream.linear.scatter [tilespmem:s15], [sflag:$0x3], $0x8400, $0x38;
	[tilespmem:$0x1F000] =	vst v63  }
0x85: {  	_ =	swait.ge [sflag:s13], $0x8400  }
0x86: {  	[sflag:s13] =	ssyncset.done $0x0  }
0x87: {  	s21 =	simm.s32 $0x0;
	[sflag:s13] =	ssyncadd.s32 $0xFFFF7C00  }
0x88: {  	v5 =	vld [tilespmem:s21+$0x4040]  }
0x89: {  	v4 =	vld [tilespmem:s21+$0x4000]  }
0x8a: {  	v3 =	vld [tilespmem:s21+$0x4010]  }
0x8b: {  	v1 =	vld [tilespmem:s21+$0x4020]  }
0x8c: {  	v2 =	vld [tilespmem:s21+$0x4030];
	_ =	sdelay $0x1  }
0x8d: {  	v6 =	vand.u32 $0xFFFFF000, v5;
	v7 =	vand.u32 $0x7F, v5  }
0x8e: {  	v8 =	vadd.s32 $0xFFFFF000, v5;
	v5 =	vand.u32 $0xFFFFF000, v4;
	v11 =	vand.u32 $0xFFFFF000, v3  }
0x8f: {  	v12 =	vand.u32 $0x7F, v1;
	vm0 =	veq.s32 v6, $0x1000;
	v7 =	vor.u32 $0x1000, v7  }
0x90: {  	v10 =	vand.u32 $0x7F, v2;
	v6 =	vand.u32 $0x7F, v4;
	v9 =	vsel vm0, v8, v7  }
0x91: {  	s22 =	simm.s32 $0x80;
	s23 =	simm.s32 $0x400;
	v7 =	vand.u32 $0x7F, v3;
	v8 =	vand.u32 $0xFFFFF000, v1;
	[tilespmem:s21+$0x8040] =	vst v9;
	v9 =	vand.u32 $0xFFFFF000, v2  }
.LBB2_10:
0x92: {  	p0 =	sne.s32 s23, $0xF800;
	v13 =	vld [tilespmem:s22+$0x4040];
	vm0 =	veq.s32 v5, $0x1000;
	v5 =	vor.u32 $0x1000, v6;
	vm1 =	veq.s32 v11, $0x1000  }
0x93: {  	v7 =	vor.u32 $0x1000, v7;
	vm2 =	veq.s32 v8, $0x1000;
	v8 =	vor.u32 $0x1000, v12;
	v6 =	vld [tilespmem:s22+$0x4000]  }
0x94: {  	v4 =	vadd.s32 $0xFFFFF000, v4;
	vm3 =	veq.s32 v9, $0x1000;
	v9 =	vor.u32 $0x1000, v10;
	v11 =	vld [tilespmem:s22+$0x4010]  }
0x95: {  	v3 =	vadd.s32 $0xFFFFF000, v3;
	v10 =	vadd.s32 $0xFFFFF000, v1;
	v12 =	vadd.s32 $0xFFFFF000, v2;
	v1 =	vld [tilespmem:s22+$0x4020]  }
0x96: {  	v15 =	vsel vm0, v4, v5;
	v3 =	vsel vm1, v3, v7;
	v7 =	vsel vm2, v10, v8;
	v2 =	vld [tilespmem:s22+$0x4030]  }
.Ltmp4:
0x97: {  	v14 =	vsel vm3, v12, v9;
	v5 =	vand.u32 $0xFFFFF000, v13;
	v8 =	vand.u32 $0x7F, v13;
	[tilespmem:s21+$0x8000] =	vst v15;
	(pc) =	sbr.rel @p0 .LBB2_10-.Ltmp4, $4  }
0x98: {  	v9 =	vadd.s32 $0xFFFFF000, v13;
	vm0 =	veq.s32 v5, $0x1000;
	v8 =	vor.u32 $0x1000, v8;
	[tilespmem:s21+$0x8010] =	vst v3;
	v4 =	vmovc v6  }
0x99: {  	v5 =	vand.u32 $0xFFFFF000, v4;
	v6 =	vand.u32 $0x7F, v4;
	v9 =	vsel vm0, v9, v8;
	[tilespmem:s21+$0x8020] =	vst v7;
	v3 =	vmovc v11  }
0x9a: {  	v11 =	vand.u32 $0xFFFFF000, v3;
	v7 =	vand.u32 $0x7F, v3;
	v8 =	vand.u32 $0xFFFFF000, v1;
	[tilespmem:s22+$0x8040] =	vst v9  }
0x9b: {  	v12 =	vand.u32 $0x7F, v1;
	v9 =	vand.u32 $0xFFFFF000, v2;
	v10 =	vand.u32 $0x7F, v2;
	[tilespmem:s21+$0x8030] =	vst v14;
	s21 =	smov.u32 s22;
	s22 =	sshra.s32 s23, $0x2;
	s23 =	sadd.s32 $0x200, s23  }
0x9c: {  	v13 =	vld [tilespmem:s22+$0x4040]  }
0x9d: {  	vm0 =	veq.s32 v5, $0x1000;
	v44 =	vor.u32 $0x1000, v6;
	vm1 =	veq.s32 v11, $0x1000;
	v45 =	vld [tilespmem:s22+$0x4000]  }
0x9e: {  	v7 =	vor.u32 $0x1000, v7;
	vm2 =	veq.s32 v8, $0x1000;
	v46 =	vor.u32 $0x1000, v12;
	v47 =	vld [tilespmem:s22+$0x4010]  }
0x9f: {  	v4 =	vadd.s32 $0xFFFFF000, v4;
	vm3 =	veq.s32 v9, $0x1000;
	v48 =	vor.u32 $0x1000, v10;
	v49 =	vld [tilespmem:s22+$0x4020]  }
0xa0: {  	v3 =	vadd.s32 $0xFFFFF000, v3;
	v1 =	vadd.s32 $0xFFFFF000, v1;
	v2 =	vadd.s32 $0xFFFFF000, v2;
	v50 =	vld [tilespmem:s22+$0x4030]  }
0xa1: {  	v4 =	vsel vm0, v4, v44;
	v3 =	vsel vm1, v3, v7;
	v1 =	vsel vm2, v1, v46  }
0xa2: {  	v2 =	vsel vm3, v2, v48;
	v51 =	vand.u32 $0xFFFFF000, v13;
	v52 =	vand.u32 $0x7F, v13  }
0xa3: {  	v53 =	vadd.s32 $0xFFFFF000, v13;
	v54 =	vand.u32 $0xFFFFF000, v45;
	v55 =	vand.u32 $0x7F, v45  }
0xa4: {  	[tilespmem:s21+$0x8010] =	vst v3;
	v56 =	vand.u32 $0xFFFFF000, v47;
	v57 =	vand.u32 $0x7F, v47;
	v58 =	vand.u32 $0xFFFFF000, v49  }
0xa5: {  	[tilespmem:s21+$0x8020] =	vst v1;
	v3 =	vand.u32 $0x7F, v49;
	v59 =	vand.u32 $0xFFFFF000, v50;
	v1 =	vand.u32 $0x7F, v50  }
0xa6: {  	v61 =	vadd.s32 $0xFFFFF000, v45;
	vm11 =	veq.s32 v51, $0x1000;
	v7 =	vor.u32 $0x1000, v52  }
0xa7: {  	[tilespmem:s21+$0x8000] =	vst v4;
	v63 =	vadd.s32 $0xFFFFF000, v50;
	vm12 =	veq.s32 v54, $0x1000;
	v5 =	vsel vm11, v53, v7  }
0xa8: {  	v9 =	vor.u32 $0x1000, v55;
	vm13 =	veq.s32 v56, $0x1000;
	v60 =	vor.u32 $0x1000, v57;
	[tilespmem:s22+$0x8040] =	vst v5  }
0xa9: {  	vm15 =	veq.s32 v59, $0x1000;
	v1 =	vor.u32 $0x1000, v1;
	v5 =	vsel vm12, v61, v9;
	[tilespmem:s21+$0x8030] =	vst v2  }
0xaa: {  	v1 =	vsel vm15, v63, v1;
	v2 =	vor.u32 $0x1000, v3;
	v3 =	vadd.s32 $0xFFFFF000, v47;
	[tilespmem:s22+$0x8000] =	vst v5  }
0xab: {  	v62 =	vadd.s32 $0xFFFFF000, v49;
	vm14 =	veq.s32 v58, $0x1000;
	v3 =	vsel vm13, v3, v60;
	[tilespmem:s22+$0x8030] =	vst v1  }
0xac: {  	v2 =	vsel vm14, v62, v2;
	[tilespmem:s22+$0x8010] =	vst v3  }
0xad: {  	[tilespmem:s22+$0x8020] =	vst v2  }
0xae: {  	s30 =	simm.s32 $0x0;
	[bflag:$0x0] =	sbarrier.arrive $0xFFFF  }
0xaf: {  	[tilespmem:s17], [sflag:$0x1] =	stream.indirect.gather [hbm4b:s4+s16], $0x80, s30, s16, $0xb8;
	[tilespmem:$0x1F000] =	vst v63  }
0xb0: {  	_ =	swait.ge [sflag:s18], $0x2800  }
0xb1: {  	[sflag:s18] =	ssyncset.done $0x0  }
0xb2: {  	s31 =	simm.s32 $0x8000;
	[sflag:s18] =	ssyncadd.s32 $0xFFFFD800  }
0xb3: {  	[spmem:s1] =	stream.indirect.scatter.add.f32 [tilespmem:s17], [sflag:$0x2], $0x80, s31, s16, $0xb8;
	[tilespmem:$0x1F000] =	vst v63  }
0xb4: {  	_ =	swait.ge [sflag:s19], $0x2800  }
0xb5: {  	s21 =	simm.s32 $0x200;
	s22 =	simm.s32 $0x400;
	[sflag:s19] =	ssyncset.done $0x0  }
.LBB2_12:
0xb6: {  	s23 =	sshra.s32 s21, $0x2  }
0xb7: {  	[sflag:s19] =	ssyncadd.s32 $0xFFFFD800;
	s21 =	smov.u32 s22;
	s24 =	sadd.s32 $0x200, s22  }
0xb8: {  	[tilespmem:s17], [sflag:$0x1] =	stream.indirect.gather [hbm4b:s4+s16], $0x80, s23, s16, $0xb8;
	[tilespmem:$0x1F000] =	vst v63  }
0xb9: {  	p0 =	sne.s32 s22, $0xF800;
	_ =	swait.ge [sflag:s18], $0x2800  }
.Ltmp5:
0xba: {  	[sflag:s18] =	ssyncset.done $0x0;
	(pc) =	sbr.rel @p0 .LBB2_12-.Ltmp5, $4  }
0xbb: {  	s22 =	sadd.s32 $0x8000, s23;
	[sflag:s18] =	ssyncadd.s32 $0xFFFFD800  }
0xbc: {  	[spmem:s1] =	stream.indirect.scatter.add.f32 [tilespmem:s17], [sflag:$0x2], $0x80, s22, s16, $0xb8;
	[tilespmem:$0x1F000] =	vst v63  }
0xbd: {  	_ =	swait.ge [sflag:s19], $0x2800  }
0xbe: {  	s22 =	smov.u32 s24;
	[sflag:s19] =	ssyncset.done $0x0  }
0xbf: {  	s21 =	sshra.s32 s21, $0x2;
	[sflag:s19] =	ssyncadd.s32 $0xFFFFD800  }
0xc0: {  	[tilespmem:s17], [sflag:$0x1] =	stream.indirect.gather [hbm4b:s4+s16], $0x80, s21, s16, $0xb8;
	[tilespmem:$0x1F000] =	vst v63  }
0xc1: {  	_ =	swait.ge [sflag:s18], $0x2800  }
0xc2: {  	[sflag:s18] =	ssyncset.done $0x0  }
0xc3: {  	s21 =	sadd.s32 $0x8000, s21;
	[sflag:s18] =	ssyncadd.s32 $0xFFFFD800  }
0xc4: {  	[spmem:s1] =	stream.indirect.scatter.add.f32 [tilespmem:s17], [sflag:$0x2], $0x80, s21, s16, $0xb8;
	[tilespmem:$0x1F000] =	vst v63  }
0xc5: {  	_ =	swait.ge [sflag:s19], $0x2800  }
0xc6: {  	[sflag:s19] =	ssyncset.done $0x0  }
0xc7: {  	[sflag:s19] =	ssyncadd.s32 $0xFFFFD800  }
0xc8: {  	[bflag:$0x0] =	sbarrier.arrive $0xFFFF  }
0xc9: {  	[tilespmem:s15], [sflag:$0x3] =	stream.linear.gather [spmem:s8], $0x8000, $0x38;
	[tilespmem:$0x1F000] =	vst v63  }
0xca: {  	_ =	swait.ge [sflag:s13], $0x8000  }
0xcb: {  	[sflag:s13] =	ssyncset.done $0x0  }
0xcc: {  	s31 =	simm.s32 $0x0;
	[sflag:s13] =	ssyncadd.s32 $0xFFFF8000  }
0xcd: {  	[hbm4b:s10+s31] =	stream.linear.scatter [tilespmem:s15], [sflag:$0x3], $0x8000, $0x38;
	[tilespmem:$0x1F000] =	vst v63  }
0xce: {  	_ =	swait.ge [sflag:s13], $0x8000  }
0xcf: {  	[sflag:s13] =	ssyncset.done $0x0  }
0xd0: {  	[sflag:s13] =	ssyncadd.s32 $0xFFFF8000  }
0xd1: {  	s22 =	simm.s32 $0x200;
	s21 =	simm.s32 $0x0;
	[bflag:$0x0] =	sbarrier.arrive $0xFFFF  }
.LBB2_14:
0xd2: {  	p0 =	sne.s32 s22, $0x20E00;
	[tilespmem:s21+$0xE870] =	vst v0  }
0xd3: {  	[tilespmem:s21+$0xE800] =	vst v0  }
0xd4: {  	[tilespmem:s21+$0xE810] =	vst v0  }
.Ltmp6:
0xd5: {  	[tilespmem:s21+$0xE820] =	vst v0;
	(pc) =	sbr.rel @p0 .LBB2_14-.Ltmp6, $4  }
0xd6: {  	[tilespmem:s21+$0xE830] =	vst v0  }
0xd7: {  	[tilespmem:s21+$0xE840] =	vst v0  }
0xd8: {  	[tilespmem:s21+$0xE850] =	vst v0  }
0xd9: {  	[tilespmem:s21+$0xE860] =	vst v0;
	s21 =	sshra.s32 s22, $0x2;
	s22 =	sadd.s32 $0x200, s22  }
0xda: {  	[tilespmem:s21+$0xE870] =	vst v0  }
0xdb: {  	[tilespmem:s21+$0xE800] =	vst v0  }
0xdc: {  	[tilespmem:s21+$0xE810] =	vst v0  }
0xdd: {  	[tilespmem:s21+$0xE820] =	vst v0  }
0xde: {  	[tilespmem:s21+$0xE830] =	vst v0  }
0xdf: {  	[tilespmem:s21+$0xE840] =	vst v0  }
0xe0: {  	[tilespmem:s21+$0xE850] =	vst v0  }
0xe1: {  	[tilespmem:s21+$0xE860] =	vst v0  }
0xe2: {  	[spmem:s7] =	stream.linear.scatter [tilespmem:s15], [sflag:$0x3], $0x8400, $0x38;
	[tilespmem:$0x1F000] =	vst v63  }
0xe3: {  	_ =	swait.ge [sflag:s13], $0x8400  }
0xe4: {  	[sflag:s13] =	ssyncset.done $0x0  }
0xe5: {  	s21 =	simm.s32 $0x0;
	[sflag:s13] =	ssyncadd.s32 $0xFFFF7C00  }
0xe6: {  	v5 =	vld [tilespmem:s21+$0x4040]  }
0xe7: {  	v4 =	vld [tilespmem:s21+$0x4000]  }
0xe8: {  	v3 =	vld [tilespmem:s21+$0x4010]  }
0xe9: {  	v1 =	vld [tilespmem:s21+$0x4020]  }
0xea: {  	v2 =	vld [tilespmem:s21+$0x4030];
	_ =	sdelay $0x1  }
0xeb: {  	v6 =	vand.u32 $0xFFFFF000, v5;
	v7 =	vand.u32 $0x7F, v5  }
0xec: {  	v8 =	vadd.s32 $0xFFFFE000, v5;
	v5 =	vand.u32 $0xFFFFF000, v4;
	v11 =	vand.u32 $0xFFFFF000, v3  }
0xed: {  	v12 =	vand.u32 $0x7F, v1;
	vm0 =	veq.s32 v6, $0x2000;
	v7 =	vor.u32 $0x1000, v7  }
0xee: {  	v10 =	vand.u32 $0x7F, v2;
	v6 =	vand.u32 $0x7F, v4;
	v9 =	vsel vm0, v8, v7  }
0xef: {  	s22 =	simm.s32 $0x80;
	s23 =	simm.s32 $0x400;
	v7 =	vand.u32 $0x7F, v3;
	v8 =	vand.u32 $0xFFFFF000, v1;
	[tilespmem:s21+$0x8040] =	vst v9;
	v9 =	vand.u32 $0xFFFFF000, v2  }
.LBB2_16:
0xf0: {  	p0 =	sne.s32 s23, $0xF800;
	v13 =	vld [tilespmem:s22+$0x4040];
	vm0 =	veq.s32 v5, $0x2000;
	v5 =	vor.u32 $0x1000, v6;
	vm1 =	veq.s32 v11, $0x2000  }
0xf1: {  	v7 =	vor.u32 $0x1000, v7;
	vm2 =	veq.s32 v8, $0x2000;
	v8 =	vor.u32 $0x1000, v12;
	v6 =	vld [tilespmem:s22+$0x4000]  }
0xf2: {  	v4 =	vadd.s32 $0xFFFFE000, v4;
	vm3 =	veq.s32 v9, $0x2000;
	v9 =	vor.u32 $0x1000, v10;
	v11 =	vld [tilespmem:s22+$0x4010]  }
0xf3: {  	v3 =	vadd.s32 $0xFFFFE000, v3;
	v10 =	vadd.s32 $0xFFFFE000, v1;
	v12 =	vadd.s32 $0xFFFFE000, v2;
	v1 =	vld [tilespmem:s22+$0x4020]  }
0xf4: {  	v15 =	vsel vm0, v4, v5;
	v3 =	vsel vm1, v3, v7;
	v7 =	vsel vm2, v10, v8;
	v2 =	vld [tilespmem:s22+$0x4030]  }
.Ltmp7:
0xf5: {  	v14 =	vsel vm3, v12, v9;
	v5 =	vand.u32 $0xFFFFF000, v13;
	v8 =	vand.u32 $0x7F, v13;
	[tilespmem:s21+$0x8000] =	vst v15;
	(pc) =	sbr.rel @p0 .LBB2_16-.Ltmp7, $4  }
0xf6: {  	v9 =	vadd.s32 $0xFFFFE000, v13;
	vm0 =	veq.s32 v5, $0x2000;
	v8 =	vor.u32 $0x1000, v8;
	[tilespmem:s21+$0x8010] =	vst v3;
	v4 =	vmovc v6  }
0xf7: {  	v5 =	vand.u32 $0xFFFFF000, v4;
	v6 =	vand.u32 $0x7F, v4;
	v9 =	vsel vm0, v9, v8;
	[tilespmem:s21+$0x8020] =	vst v7;
	v3 =	vmovc v11  }
0xf8: {  	v11 =	vand.u32 $0xFFFFF000, v3;
	v7 =	vand.u32 $0x7F, v3;
	v8 =	vand.u32 $0xFFFFF000, v1;
	[tilespmem:s22+$0x8040] =	vst v9  }
0xf9: {  	v12 =	vand.u32 $0x7F, v1;
	v9 =	vand.u32 $0xFFFFF000, v2;
	v10 =	vand.u32 $0x7F, v2;
	[tilespmem:s21+$0x8030] =	vst v14;
	s21 =	smov.u32 s22;
	s22 =	sshra.s32 s23, $0x2;
	s23 =	sadd.s32 $0x200, s23  }
0xfa: {  	v13 =	vld [tilespmem:s22+$0x4040]  }
0xfb: {  	vm0 =	veq.s32 v5, $0x2000;
	v44 =	vor.u32 $0x1000, v6;
	vm1 =	veq.s32 v11, $0x2000;
	v45 =	vld [tilespmem:s22+$0x4000]  }
0xfc: {  	v7 =	vor.u32 $0x1000, v7;
	vm2 =	veq.s32 v8, $0x2000;
	v46 =	vor.u32 $0x1000, v12;
	v47 =	vld [tilespmem:s22+$0x4010]  }
0xfd: {  	v4 =	vadd.s32 $0xFFFFE000, v4;
	vm3 =	veq.s32 v9, $0x2000;
	v48 =	vor.u32 $0x1000, v10;
	v49 =	vld [tilespmem:s22+$0x4020]  }
0xfe: {  	v3 =	vadd.s32 $0xFFFFE000, v3;
	v1 =	vadd.s32 $0xFFFFE000, v1;
	v2 =	vadd.s32 $0xFFFFE000, v2;
	v50 =	vld [tilespmem:s22+$0x4030]  }
0xff: {  	v4 =	vsel vm0, v4, v44;
	v3 =	vsel vm1, v3, v7;
	v1 =	vsel vm2, v1, v46  }
0x100: {  	v2 =	vsel vm3, v2, v48;
	v51 =	vand.u32 $0xFFFFF000, v13;
	v52 =	vand.u32 $0x7F, v13  }
0x101: {  	v53 =	vadd.s32 $0xFFFFE000, v13;
	v54 =	vand.u32 $0xFFFFF000, v45;
	v55 =	vand.u32 $0x7F, v45  }
0x102: {  	[tilespmem:s21+$0x8010] =	vst v3;
	v56 =	vand.u32 $0xFFFFF000, v47;
	v57 =	vand.u32 $0x7F, v47;
	v58 =	vand.u32 $0xFFFFF000, v49  }
0x103: {  	[tilespmem:s21+$0x8020] =	vst v1;
	v3 =	vand.u32 $0x7F, v49;
	v59 =	vand.u32 $0xFFFFF000, v50;
	v1 =	vand.u32 $0x7F, v50  }
0x104: {  	v61 =	vadd.s32 $0xFFFFE000, v45;
	vm11 =	veq.s32 v51, $0x2000;
	v7 =	vor.u32 $0x1000, v52  }
0x105: {  	[tilespmem:s21+$0x8000] =	vst v4;
	v63 =	vadd.s32 $0xFFFFE000, v50;
	vm12 =	veq.s32 v54, $0x2000;
	v5 =	vsel vm11, v53, v7  }
0x106: {  	v9 =	vor.u32 $0x1000, v55;
	vm13 =	veq.s32 v56, $0x2000;
	v60 =	vor.u32 $0x1000, v57;
	[tilespmem:s22+$0x8040] =	vst v5  }
0x107: {  	vm15 =	veq.s32 v59, $0x2000;
	v1 =	vor.u32 $0x1000, v1;
	v5 =	vsel vm12, v61, v9;
	[tilespmem:s21+$0x8030] =	vst v2  }
0x108: {  	v1 =	vsel vm15, v63, v1;
	v2 =	vor.u32 $0x1000, v3;
	v3 =	vadd.s32 $0xFFFFE000, v47;
	[tilespmem:s22+$0x8000] =	vst v5  }
0x109: {  	v62 =	vadd.s32 $0xFFFFE000, v49;
	vm14 =	veq.s32 v58, $0x2000;
	v3 =	vsel vm13, v3, v60;
	[tilespmem:s22+$0x8030] =	vst v1  }
0x10a: {  	v2 =	vsel vm14, v62, v2;
	[tilespmem:s22+$0x8010] =	vst v3  }
0x10b: {  	[tilespmem:s22+$0x8020] =	vst v2  }
0x10c: {  	s30 =	simm.s32 $0x0;
	[bflag:$0x0] =	sbarrier.arrive $0xFFFF  }
0x10d: {  	[tilespmem:s17], [sflag:$0x1] =	stream.indirect.gather [hbm4b:s4+s16], $0x80, s30, s16, $0xb8;
	[tilespmem:$0x1F000] =	vst v63  }
0x10e: {  	_ =	swait.ge [sflag:s18], $0x2800  }
0x10f: {  	[sflag:s18] =	ssyncset.done $0x0  }
0x110: {  	s31 =	simm.s32 $0x8000;
	[sflag:s18] =	ssyncadd.s32 $0xFFFFD800  }
0x111: {  	[spmem:s1] =	stream.indirect.scatter.add.f32 [tilespmem:s17], [sflag:$0x2], $0x80, s31, s16, $0xb8;
	[tilespmem:$0x1F000] =	vst v63  }
0x112: {  	_ =	swait.ge [sflag:s19], $0x2800  }
0x113: {  	s21 =	simm.s32 $0x200;
	s22 =	simm.s32 $0x400;
	[sflag:s19] =	ssyncset.done $0x0  }
.LBB2_18:
0x114: {  	s23 =	sshra.s32 s21, $0x2  }
0x115: {  	[sflag:s19] =	ssyncadd.s32 $0xFFFFD800;
	s21 =	smov.u32 s22;
	s24 =	sadd.s32 $0x200, s22  }
0x116: {  	[tilespmem:s17], [sflag:$0x1] =	stream.indirect.gather [hbm4b:s4+s16], $0x80, s23, s16, $0xb8;
	[tilespmem:$0x1F000] =	vst v63  }
0x117: {  	p0 =	sne.s32 s22, $0xF800;
	_ =	swait.ge [sflag:s18], $0x2800  }
.Ltmp8:
0x118: {  	[sflag:s18] =	ssyncset.done $0x0;
	(pc) =	sbr.rel @p0 .LBB2_18-.Ltmp8, $4  }
0x119: {  	s22 =	sadd.s32 $0x8000, s23;
	[sflag:s18] =	ssyncadd.s32 $0xFFFFD800  }
0x11a: {  	[spmem:s1] =	stream.indirect.scatter.add.f32 [tilespmem:s17], [sflag:$0x2], $0x80, s22, s16, $0xb8;
	[tilespmem:$0x1F000] =	vst v63  }
0x11b: {  	_ =	swait.ge [sflag:s19], $0x2800  }
0x11c: {  	s22 =	smov.u32 s24;
	[sflag:s19] =	ssyncset.done $0x0  }
0x11d: {  	s21 =	sshra.s32 s21, $0x2;
	[sflag:s19] =	ssyncadd.s32 $0xFFFFD800  }
0x11e: {  	[tilespmem:s17], [sflag:$0x1] =	stream.indirect.gather [hbm4b:s4+s16], $0x80, s21, s16, $0xb8;
	[tilespmem:$0x1F000] =	vst v63  }
0x11f: {  	_ =	swait.ge [sflag:s18], $0x2800  }
0x120: {  	[sflag:s18] =	ssyncset.done $0x0  }
0x121: {  	s21 =	sadd.s32 $0x8000, s21;
	[sflag:s18] =	ssyncadd.s32 $0xFFFFD800  }
0x122: {  	[spmem:s1] =	stream.indirect.scatter.add.f32 [tilespmem:s17], [sflag:$0x2], $0x80, s21, s16, $0xb8;
	[tilespmem:$0x1F000] =	vst v63  }
0x123: {  	_ =	swait.ge [sflag:s19], $0x2800  }
0x124: {  	[sflag:s19] =	ssyncset.done $0x0  }
0x125: {  	[sflag:s19] =	ssyncadd.s32 $0xFFFFD800  }
0x126: {  	[bflag:$0x0] =	sbarrier.arrive $0xFFFF  }
0x127: {  	[tilespmem:s15], [sflag:$0x3] =	stream.linear.gather [spmem:s8], $0x8000, $0x38;
	[tilespmem:$0x1F000] =	vst v63  }
0x128: {  	_ =	swait.ge [sflag:s13], $0x8000  }
0x129: {  	s20 =	sadd.s32 $0x1, s20;
	[sflag:s13] =	ssyncset.done $0x0  }
0x12a: {  	p0 =	sne.s32 s20, s12;
	[sflag:s13] =	ssyncadd.s32 $0xFFFF8000  }
0x12b: {  	[hbm4b:s11+s3] =	stream.linear.scatter [tilespmem:s15], [sflag:$0x3], $0x8000, $0x38;
	[tilespmem:$0x1F000] =	vst v63  }
.Ltmp9:
0x12c: {  	_ =	swait.ge [sflag:s13], $0x8000;
	(pc) =	sbr.rel @p0 .LBB2_1-.Ltmp9, $3  }
0x12d: {  	[sflag:s13] =	ssyncset.done $0x0  }
0x12e: {  	[sflag:s13] =	ssyncadd.s32 $0xFFFF8000  }
0x12f: {  	[bflag:$0x0] =	sbarrier.arrive $0xFFFF;
	_ =	sdelay $0x1  }
0x130: {  	_ =	sfence.sel $0x180000  }
0x131: {  	[bflag:$0x0] =	sbarrier.arrive $0xFFFF  }
0x132: {  	p0 =	sne.s32 s2, $0x0;
	_ =	strace $0x90000047  }
0x133: {  	s0 =	sadd.s32 @!p0 $0x100000, s0;
	[bflag:$0x2] =	sbarrier.arrive $0xFFFF  }
0x134: {  	[sflag:s0] =	ssyncadd.tile.s32 @!p0 $0x1;
	_ =	shalt  }
.Lfunc_end2:
_tile_overlayer_lowered:
.L_overlay_start_2:
0x135: {  	(tag) =	ssettag $0x2  }
0x136: {  	s0 =	rddreg [dreg:$0x0];
	s2 =	stileid.u32  }
0x137: {  	s1 =	rddreg [dreg:$0x1];
	p0 =	sne.s32 s2, $0x0  }
0x138: {  	s3 =	rddreg [dreg:$0x2];
	[bflag:$0x3] =	sbarrier.arrive $0xFFFF;
	s2 =	simm.s32 @!p0 $0x1C03  }
0x139: {  	[timem:s3], [sflag:s2] =	dma.local @!p0 [hbm:s0], s1  }
0x13a: {  	s0 =	simm.s32 @!p0 $0x3  }
0x13b: {  	_ =	swait.ge @!p0 [sflag:s0], s1  }
0x13c: {  	s1 =	ssub.s32 @!p0 $0x0, s1;
	[sflag:s0] =	ssyncset.done @!p0 $0x0  }
0x13d: {  	[sflag:s0] =	ssyncadd.s32 @!p0 s1  }
0x13e: {  	[bflag:$0x3] =	sbarrier.arrive $0xFFFF  }
0x13f: {  	_ =	shalt  }

</sc_bundles>
